<compile_context>
chip_gen: v7x
topology: tpu7x:2x2x1
jax: 0.10.2.dev20260603
libtpu: 0.0.44.dev20260713+nightly
codegen_flags: <defaults>
</compile_context>

<pallas_src>
import functools

import jax
import jax.numpy as jnp
from jax import lax
from jax.experimental import pallas as pl
from jax.experimental.pallas import tpu as pltpu
from jax.experimental.pallas import tpu_sc as plsc

VOCAB1 = 100001
D = 128
S = 50
NB = 4096
NC, NS = 2, 16
NW = NC * NS
C = 128
NCHUNK = S
NBUF = 6
GDEPTH = 4
FULL_GROUPS = NCHUNK // NBUF
TAIL = NCHUNK - FULL_GROUPS * NBUF


def _make_gather():
    mesh = plsc.VectorSubcoreMesh(core_axis_name="c", subcore_axis_name="s")

    @functools.partial(
        pl.kernel,
        mesh=mesh,
        out_type=jax.ShapeDtypeStruct((S, NB, D), jnp.float32),
        scratch_types=(
            [pltpu.VMEM((NCHUNK, C), jnp.int32)]
            + [pltpu.VMEM((C, D), jnp.float32) for _ in range(NBUF)]
            + [pltpu.SemaphoreType.DMA for _ in range(2 * NBUF)]
        ),
    )
    def gather(x_hbm, table_hbm, out_hbm, idx_v, *bufs_and_sems):
        rows = bufs_and_sems[:NBUF]
        sem_g = bufs_and_sems[NBUF:2 * NBUF]
        sem_o = bufs_and_sems[2 * NBUF:]
        wid = lax.axis_index("s") * NC + lax.axis_index("c")
        bbase = wid * C
        pltpu.sync_copy(x_hbm.at[:, pl.ds(bbase, C)], idx_v)

        def g_start(j, b):
            pltpu.async_copy(table_hbm.at[idx_v.at[j]], rows[b], sem_g[b])

        def g_wait(j, b):
            pltpu.make_async_copy(
                table_hbm.at[idx_v.at[j]], rows[b], sem_g[b]).wait()

        def o_start(j, b):
            pltpu.async_copy(
                rows[b], out_hbm.at[j, pl.ds(bbase, C)], sem_o[b])

        def o_wait(j, b):
            pltpu.make_async_copy(
                rows[b], out_hbm.at[j, pl.ds(bbase, C)], sem_o[b]).wait()

        def step(j, b):
            if isinstance(j, int):
                if j - (NBUF - GDEPTH) >= 0:
                    o_wait(j - (NBUF - GDEPTH), (b + GDEPTH) % NBUF)
                if j + GDEPTH < NCHUNK:
                    g_start(j + GDEPTH, (b + GDEPTH) % NBUF)
            else:
                o_wait(j - (NBUF - GDEPTH), (b + GDEPTH) % NBUF)
                g_start(j + GDEPTH, (b + GDEPTH) % NBUF)
            g_wait(j, b)
            o_start(j, b)

        for b in range(GDEPTH):
            g_start(b, b)
        for b in range(NBUF):
            step(b, b)

        def body(g, carry):
            j0 = g * NBUF
            for b in range(NBUF):
                step(j0 + b, b)
            return carry

        lax.fori_loop(1, FULL_GROUPS - 1, body, 0, unroll=False)

        for t in range((FULL_GROUPS - 1) * NBUF, NCHUNK):
            step(t, t % NBUF)
        for j in range(NCHUNK - (NBUF - GDEPTH), NCHUNK):
            o_wait(j, j % NBUF)

    return gather


_gather = _make_gather()


def kernel(x, table):
    out_sw = _gather(x.T, table)
    return out_sw.transpose(1, 0, 2)

# --- scband reference (transcript-rebuilt; emitter-appended) ---
"""Pipeline reference for scband-tag-embedder-61744449847917 (READ-ONLY COPY).

The authoritative reference and input builder live on the scoring server;
editing this copy changes nothing except your own understanding.
"""

import jax, jax.numpy as jnp
import numpy as np

VOCAB = 100000
D_MODEL = 128

def setup_inputs(seed: int = 0) -> dict:
    key = jax.random.key(seed)
    k1, k2 = jax.random.split(key)
    x = jax.random.randint(k1, (4096, 50), 0, VOCAB + 1, dtype=jnp.int64 if jax.config.jax_enable_x64 else jnp.int32).astype(jnp.int32)
    # embedding table sized (vocab_size + 1, d_model), matching nn.Embedding default init N(0,1)
    table = jax.random.normal(k2, (VOCAB + 1, D_MODEL), dtype=jnp.float32)
    return {"x": x, "table": table}

def reference(x, table):
    # TagEmbedder.forward: self.embed(x) -> gather rows of embedding table
    return jnp.take(table, x, axis=0)

if __name__ == "__main__":
    import jax
    _d = setup_inputs()
    print(jax.jit(kernel)(*tuple(_d.values())))

</pallas_src>

<mosaic_0001>
#map = affine_map<(d0, d1) -> (0, 0)>
#map1 = affine_map<(d0, d1) -> (0, 0, 0)>
module attributes {stable_mosaic.version = 14 : i64} {
  func.func @gather(%arg0: i32, %arg1: i32, %arg2: memref<50x4096xi32, #tpu.memory_space<hbm>>, %arg3: memref<100001x128xf32, #tpu.memory_space<hbm>>, %arg4: memref<50x4096x128xf32, #tpu.memory_space<hbm>>, %arg5: memref<50x128xi32, #tpu.memory_space<vmem>>, %arg6: memref<128x128xf32, #tpu.memory_space<vmem>>, %arg7: memref<128x128xf32, #tpu.memory_space<vmem>>, %arg8: memref<128x128xf32, #tpu.memory_space<vmem>>, %arg9: memref<128x128xf32, #tpu.memory_space<vmem>>, %arg10: memref<128x128xf32, #tpu.memory_space<vmem>>, %arg11: memref<128x128xf32, #tpu.memory_space<vmem>>, %arg12: memref<!tpu.dma_semaphore, #tpu.memory_space<semaphore_mem>>, %arg13: memref<!tpu.dma_semaphore, #tpu.memory_space<semaphore_mem>>, %arg14: memref<!tpu.dma_semaphore, #tpu.memory_space<semaphore_mem>>, %arg15: memref<!tpu.dma_semaphore, #tpu.memory_space<semaphore_mem>>, %arg16: memref<!tpu.dma_semaphore, #tpu.memory_space<semaphore_mem>>, %arg17: memref<!tpu.dma_semaphore, #tpu.memory_space<semaphore_mem>>, %arg18: memref<!tpu.dma_semaphore, #tpu.memory_space<semaphore_mem>>, %arg19: memref<!tpu.dma_semaphore, #tpu.memory_space<semaphore_mem>>, %arg20: memref<!tpu.dma_semaphore, #tpu.memory_space<semaphore_mem>>, %arg21: memref<!tpu.dma_semaphore, #tpu.memory_space<semaphore_mem>>, %arg22: memref<!tpu.dma_semaphore, #tpu.memory_space<semaphore_mem>>, %arg23: memref<!tpu.dma_semaphore, #tpu.memory_space<semaphore_mem>>) attributes {dimension_semantics = [#tpu.dimension_semantics<core_parallel>, #tpu.dimension_semantics<subcore_parallel>], iteration_bounds = array<i64: 2, 16>, scalar_prefetch = 0 : i64, scratch_operands = 19 : i64, tpu.core_type = #tpu.core_type<sc_vector_subcore>, window_params = [{transform_indices = #map}, {transform_indices = #map}, {transform_indices = #map1}]} {
    %mul3A = arith.constant 2 : i32
    %mul3A_0 = arith.muli %arg1, %mul3A : i32
    %add3A = arith.addi %mul3A_0, %arg0 : i32
    %mul3A_1 = arith.constant 128 : i32
    %mul3A_2 = arith.muli %add3A, %mul3A_1 : i32
    "tpu.region"() ({
      %run_scoped3A = tpu.sem_alloc : memref<!tpu.dma_semaphore, #tpu.memory_space<semaphore_mem>>
      %dma_start3A_398 = arith.constant 0 : i32
      %dma_start3A_399 = tpu.memref_slice %arg2[%dma_start3A_398, %mul3A_2] : memref<50x4096xi32, #tpu.memory_space<hbm>> -> memref<50x128xi32, #tpu.memory_space<hbm>>
      %dma_start3A_400 = arith.constant 0 : i32
      %dma_start3A_401 = tpu.memref_slice %arg2[%dma_start3A_400, %mul3A_2] : memref<50x4096xi32, #tpu.memory_space<hbm>> -> memref<50x128xi32, #tpu.memory_space<hbm>>
      tpu.enqueue_dma source(%dma_start3A_401 : memref<50x128xi32, #tpu.memory_space<hbm>>) target(%arg5 : memref<50x128xi32, #tpu.memory_space<vmem>>) target_semaphore(%run_scoped3A : memref<!tpu.dma_semaphore, #tpu.memory_space<semaphore_mem>>)
      %dma_wait3A_402 = arith.constant 0 : i32
      %dma_wait3A_403 = tpu.memref_slice %arg2[%dma_wait3A_402, %mul3A_2] : memref<50x4096xi32, #tpu.memory_space<hbm>> -> memref<50x128xi32, #tpu.memory_space<hbm>>
      %dma_wait3A_404 = arith.constant 0 : i32
      %dma_wait3A_405 = tpu.memref_slice %arg2[%dma_wait3A_404, %mul3A_2] : memref<50x4096xi32, #tpu.memory_space<hbm>> -> memref<50x128xi32, #tpu.memory_space<hbm>>
      tpu.wait_dma2 semaphore(%run_scoped3A : memref<!tpu.dma_semaphore, #tpu.memory_space<semaphore_mem>>) src(%dma_wait3A_405 : memref<50x128xi32, #tpu.memory_space<hbm>>) dst(%arg5 : memref<50x128xi32, #tpu.memory_space<vmem>>)
      tpu.yield
    }) : () -> ()
    %dma_start3A = arith.constant 0 : i32
    %dma_start3A_3 = arith.constant 0 : i32
    %dma_start3A_4 = tpu.memref_slice %arg5[%dma_start3A, %dma_start3A_3] : memref<50x128xi32, #tpu.memory_space<vmem>> -> memref<1x128xi32, #tpu.memory_space<vmem>>
    %dma_start3A_5 = tpu.memref_squeeze %dma_start3A_4 : memref<1x128xi32, #tpu.memory_space<vmem>> -> memref<128xi32, #tpu.memory_space<vmem>>
    %dma_start3A_6 = arith.constant 0 : i32
    %dma_start3A_7 = arith.constant 0 : i32
    %dma_start3A_8 = tpu.memref_slice %arg3[%dma_start3A_6, %dma_start3A_7] : memref<100001x128xf32, #tpu.memory_space<hbm>> -> memref<100001x128xf32, #tpu.memory_space<hbm>>
    tpu.enqueue_indirect_dma source(%dma_start3A_8 : memref<100001x128xf32, #tpu.memory_space<hbm>>) target(%arg6 : memref<128x128xf32, #tpu.memory_space<vmem>>) offsets(%dma_start3A_5 : memref<128xi32, #tpu.memory_space<vmem>>) semaphore(%arg12 : memref<!tpu.dma_semaphore, #tpu.memory_space<semaphore_mem>>)
    %dma_start3A_9 = arith.constant 1 : i32
    %dma_start3A_10 = arith.constant 0 : i32
    %dma_start3A_11 = tpu.memref_slice %arg5[%dma_start3A_9, %dma_start3A_10] : memref<50x128xi32, #tpu.memory_space<vmem>> -> memref<1x128xi32, #tpu.memory_space<vmem>>
    %dma_start3A_12 = tpu.memref_squeeze %dma_start3A_11 : memref<1x128xi32, #tpu.memory_space<vmem>> -> memref<128xi32, #tpu.memory_space<vmem>>
    %dma_start3A_13 = arith.constant 0 : i32
    %dma_start3A_14 = arith.constant 0 : i32
    %dma_start3A_15 = tpu.memref_slice %arg3[%dma_start3A_13, %dma_start3A_14] : memref<100001x128xf32, #tpu.memory_space<hbm>> -> memref<100001x128xf32, #tpu.memory_space<hbm>>
    tpu.enqueue_indirect_dma source(%dma_start3A_15 : memref<100001x128xf32, #tpu.memory_space<hbm>>) target(%arg7 : memref<128x128xf32, #tpu.memory_space<vmem>>) offsets(%dma_start3A_12 : memref<128xi32, #tpu.memory_space<vmem>>) semaphore(%arg13 : memref<!tpu.dma_semaphore, #tpu.memory_space<semaphore_mem>>)
    %dma_start3A_16 = arith.constant 2 : i32
    %dma_start3A_17 = arith.constant 0 : i32
    %dma_start3A_18 = tpu.memref_slice %arg5[%dma_start3A_16, %dma_start3A_17] : memref<50x128xi32, #tpu.memory_space<vmem>> -> memref<1x128xi32, #tpu.memory_space<vmem>>
    %dma_start3A_19 = tpu.memref_squeeze %dma_start3A_18 : memref<1x128xi32, #tpu.memory_space<vmem>> -> memref<128xi32, #tpu.memory_space<vmem>>
    %dma_start3A_20 = arith.constant 0 : i32
    %dma_start3A_21 = arith.constant 0 : i32
    %dma_start3A_22 = tpu.memref_slice %arg3[%dma_start3A_20, %dma_start3A_21] : memref<100001x128xf32, #tpu.memory_space<hbm>> -> memref<100001x128xf32, #tpu.memory_space<hbm>>
    tpu.enqueue_indirect_dma source(%dma_start3A_22 : memref<100001x128xf32, #tpu.memory_space<hbm>>) target(%arg8 : memref<128x128xf32, #tpu.memory_space<vmem>>) offsets(%dma_start3A_19 : memref<128xi32, #tpu.memory_space<vmem>>) semaphore(%arg14 : memref<!tpu.dma_semaphore, #tpu.memory_space<semaphore_mem>>)
    %dma_start3A_23 = arith.constant 3 : i32
    %dma_start3A_24 = arith.constant 0 : i32
    %dma_start3A_25 = tpu.memref_slice %arg5[%dma_start3A_23, %dma_start3A_24] : memref<50x128xi32, #tpu.memory_space<vmem>> -> memref<1x128xi32, #tpu.memory_space<vmem>>
    %dma_start3A_26 = tpu.memref_squeeze %dma_start3A_25 : memref<1x128xi32, #tpu.memory_space<vmem>> -> memref<128xi32, #tpu.memory_space<vmem>>
    %dma_start3A_27 = arith.constant 0 : i32
    %dma_start3A_28 = arith.constant 0 : i32
    %dma_start3A_29 = tpu.memref_slice %arg3[%dma_start3A_27, %dma_start3A_28] : memref<100001x128xf32, #tpu.memory_space<hbm>> -> memref<100001x128xf32, #tpu.memory_space<hbm>>
    tpu.enqueue_indirect_dma source(%dma_start3A_29 : memref<100001x128xf32, #tpu.memory_space<hbm>>) target(%arg9 : memref<128x128xf32, #tpu.memory_space<vmem>>) offsets(%dma_start3A_26 : memref<128xi32, #tpu.memory_space<vmem>>) semaphore(%arg15 : memref<!tpu.dma_semaphore, #tpu.memory_space<semaphore_mem>>)
    %dma_start3A_30 = arith.constant 4 : i32
    %dma_start3A_31 = arith.constant 0 : i32
    %dma_start3A_32 = tpu.memref_slice %arg5[%dma_start3A_30, %dma_start3A_31] : memref<50x128xi32, #tpu.memory_space<vmem>> -> memref<1x128xi32, #tpu.memory_space<vmem>>
    %dma_start3A_33 = tpu.memref_squeeze %dma_start3A_32 : memref<1x128xi32, #tpu.memory_space<vmem>> -> memref<128xi32, #tpu.memory_space<vmem>>
    %dma_start3A_34 = arith.constant 0 : i32
    %dma_start3A_35 = arith.constant 0 : i32
    %dma_start3A_36 = tpu.memref_slice %arg3[%dma_start3A_34, %dma_start3A_35] : memref<100001x128xf32, #tpu.memory_space<hbm>> -> memref<100001x128xf32, #tpu.memory_space<hbm>>
    tpu.enqueue_indirect_dma source(%dma_start3A_36 : memref<100001x128xf32, #tpu.memory_space<hbm>>) target(%arg10 : memref<128x128xf32, #tpu.memory_space<vmem>>) offsets(%dma_start3A_33 : memref<128xi32, #tpu.memory_space<vmem>>) semaphore(%arg16 : memref<!tpu.dma_semaphore, #tpu.memory_space<semaphore_mem>>)
    %dma_wait3A = arith.constant 0 : i32
    %dma_wait3A_37 = arith.constant 0 : i32
    %dma_wait3A_38 = tpu.memref_slice %arg5[%dma_wait3A, %dma_wait3A_37] : memref<50x128xi32, #tpu.memory_space<vmem>> -> memref<1x128xi32, #tpu.memory_space<vmem>>
    %dma_wait3A_39 = tpu.memref_squeeze %dma_wait3A_38 : memref<1x128xi32, #tpu.memory_space<vmem>> -> memref<128xi32, #tpu.memory_space<vmem>>
    %dma_wait3A_40 = arith.constant 0 : i32
    %dma_wait3A_41 = arith.constant 0 : i32
    %dma_wait3A_42 = tpu.memref_slice %arg3[%dma_wait3A_40, %dma_wait3A_41] : memref<100001x128xf32, #tpu.memory_space<hbm>> -> memref<100001x128xf32, #tpu.memory_space<hbm>>
    tpu.wait_indirect_dma semaphore(%arg12 : memref<!tpu.dma_semaphore, #tpu.memory_space<semaphore_mem>>) src(%dma_wait3A_42 : memref<100001x128xf32, #tpu.memory_space<hbm>>) dst(%arg6 : memref<128x128xf32, #tpu.memory_space<vmem>>)
    %dma_start3A_43 = arith.constant 0 : i32
    %dma_start3A_44 = arith.constant 0 : i32
    %dma_start3A_45 = tpu.memref_slice %arg4[%dma_start3A_43, %mul3A_2, %dma_start3A_44] : memref<50x4096x128xf32, #tpu.memory_space<hbm>> -> memref<1x128x128xf32, #tpu.memory_space<hbm>>
    %dma_start3A_46 = tpu.memref_squeeze %dma_start3A_45 : memref<1x128x128xf32, #tpu.memory_space<hbm>> -> memref<128x128xf32, #tpu.memory_space<hbm>>
    %dma_start3A_47 = arith.constant 0 : i32
    %dma_start3A_48 = tpu.memref_slice %arg4[%dma_start3A_43, %mul3A_2, %dma_start3A_47] : memref<50x4096x128xf32, #tpu.memory_space<hbm>> -> memref<1x128x128xf32, #tpu.memory_space<hbm>>
    %dma_start3A_49 = tpu.memref_squeeze %dma_start3A_48 : memref<1x128x128xf32, #tpu.memory_space<hbm>> -> memref<128x128xf32, #tpu.memory_space<hbm>>
    tpu.enqueue_dma source(%arg6 : memref<128x128xf32, #tpu.memory_space<vmem>>) target(%dma_start3A_49 : memref<128x128xf32, #tpu.memory_space<hbm>>) target_semaphore(%arg18 : memref<!tpu.dma_semaphore, #tpu.memory_space<semaphore_mem>>)
    %dma_start3A_50 = arith.constant 5 : i32
    %dma_start3A_51 = arith.constant 0 : i32
    %dma_start3A_52 = tpu.memref_slice %arg5[%dma_start3A_50, %dma_start3A_51] : memref<50x128xi32, #tpu.memory_space<vmem>> -> memref<1x128xi32, #tpu.memory_space<vmem>>
    %dma_start3A_53 = tpu.memref_squeeze %dma_start3A_52 : memref<1x128xi32, #tpu.memory_space<vmem>> -> memref<128xi32, #tpu.memory_space<vmem>>
    %dma_start3A_54 = arith.constant 0 : i32
    %dma_start3A_55 = arith.constant 0 : i32
    %dma_start3A_56 = tpu.memref_slice %arg3[%dma_start3A_54, %dma_start3A_55] : memref<100001x128xf32, #tpu.memory_space<hbm>> -> memref<100001x128xf32, #tpu.memory_space<hbm>>
    tpu.enqueue_indirect_dma source(%dma_start3A_56 : memref<100001x128xf32, #tpu.memory_space<hbm>>) target(%arg11 : memref<128x128xf32, #tpu.memory_space<vmem>>) offsets(%dma_start3A_53 : memref<128xi32, #tpu.memory_space<vmem>>) semaphore(%arg17 : memref<!tpu.dma_semaphore, #tpu.memory_space<semaphore_mem>>)
    %dma_wait3A_57 = arith.constant 1 : i32
    %dma_wait3A_58 = arith.constant 0 : i32
    %dma_wait3A_59 = tpu.memref_slice %arg5[%dma_wait3A_57, %dma_wait3A_58] : memref<50x128xi32, #tpu.memory_space<vmem>> -> memref<1x128xi32, #tpu.memory_space<vmem>>
    %dma_wait3A_60 = tpu.memref_squeeze %dma_wait3A_59 : memref<1x128xi32, #tpu.memory_space<vmem>> -> memref<128xi32, #tpu.memory_space<vmem>>
    %dma_wait3A_61 = arith.constant 0 : i32
    %dma_wait3A_62 = arith.constant 0 : i32
    %dma_wait3A_63 = tpu.memref_slice %arg3[%dma_wait3A_61, %dma_wait3A_62] : memref<100001x128xf32, #tpu.memory_space<hbm>> -> memref<100001x128xf32, #tpu.memory_space<hbm>>
    tpu.wait_indirect_dma semaphore(%arg13 : memref<!tpu.dma_semaphore, #tpu.memory_space<semaphore_mem>>) src(%dma_wait3A_63 : memref<100001x128xf32, #tpu.memory_space<hbm>>) dst(%arg7 : memref<128x128xf32, #tpu.memory_space<vmem>>)
    %dma_start3A_64 = arith.constant 1 : i32
    %dma_start3A_65 = arith.constant 0 : i32
    %dma_start3A_66 = tpu.memref_slice %arg4[%dma_start3A_64, %mul3A_2, %dma_start3A_65] : memref<50x4096x128xf32, #tpu.memory_space<hbm>> -> memref<1x128x128xf32, #tpu.memory_space<hbm>>
    %dma_start3A_67 = tpu.memref_squeeze %dma_start3A_66 : memref<1x128x128xf32, #tpu.memory_space<hbm>> -> memref<128x128xf32, #tpu.memory_space<hbm>>
    %dma_start3A_68 = arith.constant 0 : i32
    %dma_start3A_69 = tpu.memref_slice %arg4[%dma_start3A_64, %mul3A_2, %dma_start3A_68] : memref<50x4096x128xf32, #tpu.memory_space<hbm>> -> memref<1x128x128xf32, #tpu.memory_space<hbm>>
    %dma_start3A_70 = tpu.memref_squeeze %dma_start3A_69 : memref<1x128x128xf32, #tpu.memory_space<hbm>> -> memref<128x128xf32, #tpu.memory_space<hbm>>
    tpu.enqueue_dma source(%arg7 : memref<128x128xf32, #tpu.memory_space<vmem>>) target(%dma_start3A_70 : memref<128x128xf32, #tpu.memory_space<hbm>>) target_semaphore(%arg19 : memref<!tpu.dma_semaphore, #tpu.memory_space<semaphore_mem>>)
    %dma_wait3A_71 = arith.constant 0 : i32
    %dma_wait3A_72 = arith.constant 0 : i32
    %dma_wait3A_73 = tpu.memref_slice %arg4[%dma_wait3A_71, %mul3A_2, %dma_wait3A_72] : memref<50x4096x128xf32, #tpu.memory_space<hbm>> -> memref<1x128x128xf32, #tpu.memory_space<hbm>>
    %dma_wait3A_74 = tpu.memref_squeeze %dma_wait3A_73 : memref<1x128x128xf32, #tpu.memory_space<hbm>> -> memref<128x128xf32, #tpu.memory_space<hbm>>
    %dma_wait3A_75 = arith.constant 0 : i32
    %dma_wait3A_76 = tpu.memref_slice %arg4[%dma_wait3A_71, %mul3A_2, %dma_wait3A_75] : memref<50x4096x128xf32, #tpu.memory_space<hbm>> -> memref<1x128x128xf32, #tpu.memory_space<hbm>>
    %dma_wait3A_77 = tpu.memref_squeeze %dma_wait3A_76 : memref<1x128x128xf32, #tpu.memory_space<hbm>> -> memref<128x128xf32, #tpu.memory_space<hbm>>
    tpu.wait_dma2 semaphore(%arg18 : memref<!tpu.dma_semaphore, #tpu.memory_space<semaphore_mem>>) src(%arg6 : memref<128x128xf32, #tpu.memory_space<vmem>>) dst(%dma_wait3A_77 : memref<128x128xf32, #tpu.memory_space<hbm>>)
    %dma_start3A_78 = arith.constant 6 : i32
    %dma_start3A_79 = arith.constant 0 : i32
    %dma_start3A_80 = tpu.memref_slice %arg5[%dma_start3A_78, %dma_start3A_79] : memref<50x128xi32, #tpu.memory_space<vmem>> -> memref<1x128xi32, #tpu.memory_space<vmem>>
    %dma_start3A_81 = tpu.memref_squeeze %dma_start3A_80 : memref<1x128xi32, #tpu.memory_space<vmem>> -> memref<128xi32, #tpu.memory_space<vmem>>
    %dma_start3A_82 = arith.constant 0 : i32
    %dma_start3A_83 = arith.constant 0 : i32
    %dma_start3A_84 = tpu.memref_slice %arg3[%dma_start3A_82, %dma_start3A_83] : memref<100001x128xf32, #tpu.memory_space<hbm>> -> memref<100001x128xf32, #tpu.memory_space<hbm>>
    tpu.enqueue_indirect_dma source(%dma_start3A_84 : memref<100001x128xf32, #tpu.memory_space<hbm>>) target(%arg6 : memref<128x128xf32, #tpu.memory_space<vmem>>) offsets(%dma_start3A_81 : memref<128xi32, #tpu.memory_space<vmem>>) semaphore(%arg12 : memref<!tpu.dma_semaphore, #tpu.memory_space<semaphore_mem>>)
    %dma_wait3A_85 = arith.constant 2 : i32
    %dma_wait3A_86 = arith.constant 0 : i32
    %dma_wait3A_87 = tpu.memref_slice %arg5[%dma_wait3A_85, %dma_wait3A_86] : memref<50x128xi32, #tpu.memory_space<vmem>> -> memref<1x128xi32, #tpu.memory_space<vmem>>
    %dma_wait3A_88 = tpu.memref_squeeze %dma_wait3A_87 : memref<1x128xi32, #tpu.memory_space<vmem>> -> memref<128xi32, #tpu.memory_space<vmem>>
    %dma_wait3A_89 = arith.constant 0 : i32
    %dma_wait3A_90 = arith.constant 0 : i32
    %dma_wait3A_91 = tpu.memref_slice %arg3[%dma_wait3A_89, %dma_wait3A_90] : memref<100001x128xf32, #tpu.memory_space<hbm>> -> memref<100001x128xf32, #tpu.memory_space<hbm>>
    tpu.wait_indirect_dma semaphore(%arg14 : memref<!tpu.dma_semaphore, #tpu.memory_space<semaphore_mem>>) src(%dma_wait3A_91 : memref<100001x128xf32, #tpu.memory_space<hbm>>) dst(%arg8 : memref<128x128xf32, #tpu.memory_space<vmem>>)
    %dma_start3A_92 = arith.constant 2 : i32
    %dma_start3A_93 = arith.constant 0 : i32
    %dma_start3A_94 = tpu.memref_slice %arg4[%dma_start3A_92, %mul3A_2, %dma_start3A_93] : memref<50x4096x128xf32, #tpu.memory_space<hbm>> -> memref<1x128x128xf32, #tpu.memory_space<hbm>>
    %dma_start3A_95 = tpu.memref_squeeze %dma_start3A_94 : memref<1x128x128xf32, #tpu.memory_space<hbm>> -> memref<128x128xf32, #tpu.memory_space<hbm>>
    %dma_start3A_96 = arith.constant 0 : i32
    %dma_start3A_97 = tpu.memref_slice %arg4[%dma_start3A_92, %mul3A_2, %dma_start3A_96] : memref<50x4096x128xf32, #tpu.memory_space<hbm>> -> memref<1x128x128xf32, #tpu.memory_space<hbm>>
    %dma_start3A_98 = tpu.memref_squeeze %dma_start3A_97 : memref<1x128x128xf32, #tpu.memory_space<hbm>> -> memref<128x128xf32, #tpu.memory_space<hbm>>
    tpu.enqueue_dma source(%arg8 : memref<128x128xf32, #tpu.memory_space<vmem>>) target(%dma_start3A_98 : memref<128x128xf32, #tpu.memory_space<hbm>>) target_semaphore(%arg20 : memref<!tpu.dma_semaphore, #tpu.memory_space<semaphore_mem>>)
    %dma_wait3A_99 = arith.constant 1 : i32
    %dma_wait3A_100 = arith.constant 0 : i32
    %dma_wait3A_101 = tpu.memref_slice %arg4[%dma_wait3A_99, %mul3A_2, %dma_wait3A_100] : memref<50x4096x128xf32, #tpu.memory_space<hbm>> -> memref<1x128x128xf32, #tpu.memory_space<hbm>>
    %dma_wait3A_102 = tpu.memref_squeeze %dma_wait3A_101 : memref<1x128x128xf32, #tpu.memory_space<hbm>> -> memref<128x128xf32, #tpu.memory_space<hbm>>
    %dma_wait3A_103 = arith.constant 0 : i32
    %dma_wait3A_104 = tpu.memref_slice %arg4[%dma_wait3A_99, %mul3A_2, %dma_wait3A_103] : memref<50x4096x128xf32, #tpu.memory_space<hbm>> -> memref<1x128x128xf32, #tpu.memory_space<hbm>>
    %dma_wait3A_105 = tpu.memref_squeeze %dma_wait3A_104 : memref<1x128x128xf32, #tpu.memory_space<hbm>> -> memref<128x128xf32, #tpu.memory_space<hbm>>
    tpu.wait_dma2 semaphore(%arg19 : memref<!tpu.dma_semaphore, #tpu.memory_space<semaphore_mem>>) src(%arg7 : memref<128x128xf32, #tpu.memory_space<vmem>>) dst(%dma_wait3A_105 : memref<128x128xf32, #tpu.memory_space<hbm>>)
    %dma_start3A_106 = arith.constant 7 : i32
    %dma_start3A_107 = arith.constant 0 : i32
    %dma_start3A_108 = tpu.memref_slice %arg5[%dma_start3A_106, %dma_start3A_107] : memref<50x128xi32, #tpu.memory_space<vmem>> -> memref<1x128xi32, #tpu.memory_space<vmem>>
    %dma_start3A_109 = tpu.memref_squeeze %dma_start3A_108 : memref<1x128xi32, #tpu.memory_space<vmem>> -> memref<128xi32, #tpu.memory_space<vmem>>
    %dma_start3A_110 = arith.constant 0 : i32
    %dma_start3A_111 = arith.constant 0 : i32
    %dma_start3A_112 = tpu.memref_slice %arg3[%dma_start3A_110, %dma_start3A_111] : memref<100001x128xf32, #tpu.memory_space<hbm>> -> memref<100001x128xf32, #tpu.memory_space<hbm>>
    tpu.enqueue_indirect_dma source(%dma_start3A_112 : memref<100001x128xf32, #tpu.memory_space<hbm>>) target(%arg7 : memref<128x128xf32, #tpu.memory_space<vmem>>) offsets(%dma_start3A_109 : memref<128xi32, #tpu.memory_space<vmem>>) semaphore(%arg13 : memref<!tpu.dma_semaphore, #tpu.memory_space<semaphore_mem>>)
    %dma_wait3A_113 = arith.constant 3 : i32
    %dma_wait3A_114 = arith.constant 0 : i32
    %dma_wait3A_115 = tpu.memref_slice %arg5[%dma_wait3A_113, %dma_wait3A_114] : memref<50x128xi32, #tpu.memory_space<vmem>> -> memref<1x128xi32, #tpu.memory_space<vmem>>
    %dma_wait3A_116 = tpu.memref_squeeze %dma_wait3A_115 : memref<1x128xi32, #tpu.memory_space<vmem>> -> memref<128xi32, #tpu.memory_space<vmem>>
    %dma_wait3A_117 = arith.constant 0 : i32
    %dma_wait3A_118 = arith.constant 0 : i32
    %dma_wait3A_119 = tpu.memref_slice %arg3[%dma_wait3A_117, %dma_wait3A_118] : memref<100001x128xf32, #tpu.memory_space<hbm>> -> memref<100001x128xf32, #tpu.memory_space<hbm>>
    tpu.wait_indirect_dma semaphore(%arg15 : memref<!tpu.dma_semaphore, #tpu.memory_space<semaphore_mem>>) src(%dma_wait3A_119 : memref<100001x128xf32, #tpu.memory_space<hbm>>) dst(%arg9 : memref<128x128xf32, #tpu.memory_space<vmem>>)
    %dma_start3A_120 = arith.constant 3 : i32
    %dma_start3A_121 = arith.constant 0 : i32
    %dma_start3A_122 = tpu.memref_slice %arg4[%dma_start3A_120, %mul3A_2, %dma_start3A_121] : memref<50x4096x128xf32, #tpu.memory_space<hbm>> -> memref<1x128x128xf32, #tpu.memory_space<hbm>>
    %dma_start3A_123 = tpu.memref_squeeze %dma_start3A_122 : memref<1x128x128xf32, #tpu.memory_space<hbm>> -> memref<128x128xf32, #tpu.memory_space<hbm>>
    %dma_start3A_124 = arith.constant 0 : i32
    %dma_start3A_125 = tpu.memref_slice %arg4[%dma_start3A_120, %mul3A_2, %dma_start3A_124] : memref<50x4096x128xf32, #tpu.memory_space<hbm>> -> memref<1x128x128xf32, #tpu.memory_space<hbm>>
    %dma_start3A_126 = tpu.memref_squeeze %dma_start3A_125 : memref<1x128x128xf32, #tpu.memory_space<hbm>> -> memref<128x128xf32, #tpu.memory_space<hbm>>
    tpu.enqueue_dma source(%arg9 : memref<128x128xf32, #tpu.memory_space<vmem>>) target(%dma_start3A_126 : memref<128x128xf32, #tpu.memory_space<hbm>>) target_semaphore(%arg21 : memref<!tpu.dma_semaphore, #tpu.memory_space<semaphore_mem>>)
    %dma_wait3A_127 = arith.constant 2 : i32
    %dma_wait3A_128 = arith.constant 0 : i32
    %dma_wait3A_129 = tpu.memref_slice %arg4[%dma_wait3A_127, %mul3A_2, %dma_wait3A_128] : memref<50x4096x128xf32, #tpu.memory_space<hbm>> -> memref<1x128x128xf32, #tpu.memory_space<hbm>>
    %dma_wait3A_130 = tpu.memref_squeeze %dma_wait3A_129 : memref<1x128x128xf32, #tpu.memory_space<hbm>> -> memref<128x128xf32, #tpu.memory_space<hbm>>
    %dma_wait3A_131 = arith.constant 0 : i32
    %dma_wait3A_132 = tpu.memref_slice %arg4[%dma_wait3A_127, %mul3A_2, %dma_wait3A_131] : memref<50x4096x128xf32, #tpu.memory_space<hbm>> -> memref<1x128x128xf32, #tpu.memory_space<hbm>>
    %dma_wait3A_133 = tpu.memref_squeeze %dma_wait3A_132 : memref<1x128x128xf32, #tpu.memory_space<hbm>> -> memref<128x128xf32, #tpu.memory_space<hbm>>
    tpu.wait_dma2 semaphore(%arg20 : memref<!tpu.dma_semaphore, #tpu.memory_space<semaphore_mem>>) src(%arg8 : memref<128x128xf32, #tpu.memory_space<vmem>>) dst(%dma_wait3A_133 : memref<128x128xf32, #tpu.memory_space<hbm>>)
    %dma_start3A_134 = arith.constant 8 : i32
    %dma_start3A_135 = arith.constant 0 : i32
    %dma_start3A_136 = tpu.memref_slice %arg5[%dma_start3A_134, %dma_start3A_135] : memref<50x128xi32, #tpu.memory_space<vmem>> -> memref<1x128xi32, #tpu.memory_space<vmem>>
    %dma_start3A_137 = tpu.memref_squeeze %dma_start3A_136 : memref<1x128xi32, #tpu.memory_space<vmem>> -> memref<128xi32, #tpu.memory_space<vmem>>
    %dma_start3A_138 = arith.constant 0 : i32
    %dma_start3A_139 = arith.constant 0 : i32
    %dma_start3A_140 = tpu.memref_slice %arg3[%dma_start3A_138, %dma_start3A_139] : memref<100001x128xf32, #tpu.memory_space<hbm>> -> memref<100001x128xf32, #tpu.memory_space<hbm>>
    tpu.enqueue_indirect_dma source(%dma_start3A_140 : memref<100001x128xf32, #tpu.memory_space<hbm>>) target(%arg8 : memref<128x128xf32, #tpu.memory_space<vmem>>) offsets(%dma_start3A_137 : memref<128xi32, #tpu.memory_space<vmem>>) semaphore(%arg14 : memref<!tpu.dma_semaphore, #tpu.memory_space<semaphore_mem>>)
    %dma_wait3A_141 = arith.constant 4 : i32
    %dma_wait3A_142 = arith.constant 0 : i32
    %dma_wait3A_143 = tpu.memref_slice %arg5[%dma_wait3A_141, %dma_wait3A_142] : memref<50x128xi32, #tpu.memory_space<vmem>> -> memref<1x128xi32, #tpu.memory_space<vmem>>
    %dma_wait3A_144 = tpu.memref_squeeze %dma_wait3A_143 : memref<1x128xi32, #tpu.memory_space<vmem>> -> memref<128xi32, #tpu.memory_space<vmem>>
    %dma_wait3A_145 = arith.constant 0 : i32
    %dma_wait3A_146 = arith.constant 0 : i32
    %dma_wait3A_147 = tpu.memref_slice %arg3[%dma_wait3A_145, %dma_wait3A_146] : memref<100001x128xf32, #tpu.memory_space<hbm>> -> memref<100001x128xf32, #tpu.memory_space<hbm>>
    tpu.wait_indirect_dma semaphore(%arg16 : memref<!tpu.dma_semaphore, #tpu.memory_space<semaphore_mem>>) src(%dma_wait3A_147 : memref<100001x128xf32, #tpu.memory_space<hbm>>) dst(%arg10 : memref<128x128xf32, #tpu.memory_space<vmem>>)
    %dma_start3A_148 = arith.constant 4 : i32
    %dma_start3A_149 = arith.constant 0 : i32
    %dma_start3A_150 = tpu.memref_slice %arg4[%dma_start3A_148, %mul3A_2, %dma_start3A_149] : memref<50x4096x128xf32, #tpu.memory_space<hbm>> -> memref<1x128x128xf32, #tpu.memory_space<hbm>>
    %dma_start3A_151 = tpu.memref_squeeze %dma_start3A_150 : memref<1x128x128xf32, #tpu.memory_space<hbm>> -> memref<128x128xf32, #tpu.memory_space<hbm>>
    %dma_start3A_152 = arith.constant 0 : i32
    %dma_start3A_153 = tpu.memref_slice %arg4[%dma_start3A_148, %mul3A_2, %dma_start3A_152] : memref<50x4096x128xf32, #tpu.memory_space<hbm>> -> memref<1x128x128xf32, #tpu.memory_space<hbm>>
    %dma_start3A_154 = tpu.memref_squeeze %dma_start3A_153 : memref<1x128x128xf32, #tpu.memory_space<hbm>> -> memref<128x128xf32, #tpu.memory_space<hbm>>
    tpu.enqueue_dma source(%arg10 : memref<128x128xf32, #tpu.memory_space<vmem>>) target(%dma_start3A_154 : memref<128x128xf32, #tpu.memory_space<hbm>>) target_semaphore(%arg22 : memref<!tpu.dma_semaphore, #tpu.memory_space<semaphore_mem>>)
    %dma_wait3A_155 = arith.constant 3 : i32
    %dma_wait3A_156 = arith.constant 0 : i32
    %dma_wait3A_157 = tpu.memref_slice %arg4[%dma_wait3A_155, %mul3A_2, %dma_wait3A_156] : memref<50x4096x128xf32, #tpu.memory_space<hbm>> -> memref<1x128x128xf32, #tpu.memory_space<hbm>>
    %dma_wait3A_158 = tpu.memref_squeeze %dma_wait3A_157 : memref<1x128x128xf32, #tpu.memory_space<hbm>> -> memref<128x128xf32, #tpu.memory_space<hbm>>
    %dma_wait3A_159 = arith.constant 0 : i32
    %dma_wait3A_160 = tpu.memref_slice %arg4[%dma_wait3A_155, %mul3A_2, %dma_wait3A_159] : memref<50x4096x128xf32, #tpu.memory_space<hbm>> -> memref<1x128x128xf32, #tpu.memory_space<hbm>>
    %dma_wait3A_161 = tpu.memref_squeeze %dma_wait3A_160 : memref<1x128x128xf32, #tpu.memory_space<hbm>> -> memref<128x128xf32, #tpu.memory_space<hbm>>
    tpu.wait_dma2 semaphore(%arg21 : memref<!tpu.dma_semaphore, #tpu.memory_space<semaphore_mem>>) src(%arg9 : memref<128x128xf32, #tpu.memory_space<vmem>>) dst(%dma_wait3A_161 : memref<128x128xf32, #tpu.memory_space<hbm>>)
    %dma_start3A_162 = arith.constant 9 : i32
    %dma_start3A_163 = arith.constant 0 : i32
    %dma_start3A_164 = tpu.memref_slice %arg5[%dma_start3A_162, %dma_start3A_163] : memref<50x128xi32, #tpu.memory_space<vmem>> -> memref<1x128xi32, #tpu.memory_space<vmem>>
    %dma_start3A_165 = tpu.memref_squeeze %dma_start3A_164 : memref<1x128xi32, #tpu.memory_space<vmem>> -> memref<128xi32, #tpu.memory_space<vmem>>
    %dma_start3A_166 = arith.constant 0 : i32
    %dma_start3A_167 = arith.constant 0 : i32
    %dma_start3A_168 = tpu.memref_slice %arg3[%dma_start3A_166, %dma_start3A_167] : memref<100001x128xf32, #tpu.memory_space<hbm>> -> memref<100001x128xf32, #tpu.memory_space<hbm>>
    tpu.enqueue_indirect_dma source(%dma_start3A_168 : memref<100001x128xf32, #tpu.memory_space<hbm>>) target(%arg9 : memref<128x128xf32, #tpu.memory_space<vmem>>) offsets(%dma_start3A_165 : memref<128xi32, #tpu.memory_space<vmem>>) semaphore(%arg15 : memref<!tpu.dma_semaphore, #tpu.memory_space<semaphore_mem>>)
    %dma_wait3A_169 = arith.constant 5 : i32
    %dma_wait3A_170 = arith.constant 0 : i32
    %dma_wait3A_171 = tpu.memref_slice %arg5[%dma_wait3A_169, %dma_wait3A_170] : memref<50x128xi32, #tpu.memory_space<vmem>> -> memref<1x128xi32, #tpu.memory_space<vmem>>
    %dma_wait3A_172 = tpu.memref_squeeze %dma_wait3A_171 : memref<1x128xi32, #tpu.memory_space<vmem>> -> memref<128xi32, #tpu.memory_space<vmem>>
    %dma_wait3A_173 = arith.constant 0 : i32
    %dma_wait3A_174 = arith.constant 0 : i32
    %dma_wait3A_175 = tpu.memref_slice %arg3[%dma_wait3A_173, %dma_wait3A_174] : memref<100001x128xf32, #tpu.memory_space<hbm>> -> memref<100001x128xf32, #tpu.memory_space<hbm>>
    tpu.wait_indirect_dma semaphore(%arg17 : memref<!tpu.dma_semaphore, #tpu.memory_space<semaphore_mem>>) src(%dma_wait3A_175 : memref<100001x128xf32, #tpu.memory_space<hbm>>) dst(%arg11 : memref<128x128xf32, #tpu.memory_space<vmem>>)
    %dma_start3A_176 = arith.constant 5 : i32
    %dma_start3A_177 = arith.constant 0 : i32
    %dma_start3A_178 = tpu.memref_slice %arg4[%dma_start3A_176, %mul3A_2, %dma_start3A_177] : memref<50x4096x128xf32, #tpu.memory_space<hbm>> -> memref<1x128x128xf32, #tpu.memory_space<hbm>>
    %dma_start3A_179 = tpu.memref_squeeze %dma_start3A_178 : memref<1x128x128xf32, #tpu.memory_space<hbm>> -> memref<128x128xf32, #tpu.memory_space<hbm>>
    %dma_start3A_180 = arith.constant 0 : i32
    %dma_start3A_181 = tpu.memref_slice %arg4[%dma_start3A_176, %mul3A_2, %dma_start3A_180] : memref<50x4096x128xf32, #tpu.memory_space<hbm>> -> memref<1x128x128xf32, #tpu.memory_space<hbm>>
    %dma_start3A_182 = tpu.memref_squeeze %dma_start3A_181 : memref<1x128x128xf32, #tpu.memory_space<hbm>> -> memref<128x128xf32, #tpu.memory_space<hbm>>
    tpu.enqueue_dma source(%arg11 : memref<128x128xf32, #tpu.memory_space<vmem>>) target(%dma_start3A_182 : memref<128x128xf32, #tpu.memory_space<hbm>>) target_semaphore(%arg23 : memref<!tpu.dma_semaphore, #tpu.memory_space<semaphore_mem>>)
    %scan3A = arith.constant 0 : i32
    %scan3A_183 = arith.constant 1 : i32
    %scan3A_184 = arith.constant 6 : i32
    %scan3A_185 = arith.addi %scan3A_183, %scan3A_184 : i32
    %scan3A_186 = arith.constant 1 : i32
    scf.for %scan3A_398 = %scan3A_183 to %scan3A_185 step %scan3A_186  : i32 {
      %mul3A_399 = arith.constant 6 : i32
      %mul3A_400 = arith.muli %scan3A_398, %mul3A_399 : i32
      %add3A_401 = arith.constant 0 : i32
      %add3A_402 = arith.addi %mul3A_400, %add3A_401 : i32
      %sub3A = arith.constant 2 : i32
      %sub3A_403 = arith.subi %add3A_402, %sub3A : i32
      %dma_wait3A_404 = arith.constant 0 : i32
      %dma_wait3A_405 = tpu.memref_slice %arg4[%sub3A_403, %mul3A_2, %dma_wait3A_404] : memref<50x4096x128xf32, #tpu.memory_space<hbm>> -> memref<1x128x128xf32, #tpu.memory_space<hbm>>
      %dma_wait3A_406 = tpu.memref_squeeze %dma_wait3A_405 : memref<1x128x128xf32, #tpu.memory_space<hbm>> -> memref<128x128xf32, #tpu.memory_space<hbm>>
      %dma_wait3A_407 = arith.constant 0 : i32
      %dma_wait3A_408 = tpu.memref_slice %arg4[%sub3A_403, %mul3A_2, %dma_wait3A_407] : memref<50x4096x128xf32, #tpu.memory_space<hbm>> -> memref<1x128x128xf32, #tpu.memory_space<hbm>>
      %dma_wait3A_409 = tpu.memref_squeeze %dma_wait3A_408 : memref<1x128x128xf32, #tpu.memory_space<hbm>> -> memref<128x128xf32, #tpu.memory_space<hbm>>
      tpu.wait_dma2 semaphore(%arg22 : memref<!tpu.dma_semaphore, #tpu.memory_space<semaphore_mem>>) src(%arg10 : memref<128x128xf32, #tpu.memory_space<vmem>>) dst(%dma_wait3A_409 : memref<128x128xf32, #tpu.memory_space<hbm>>)
      %add3A_410 = arith.constant 4 : i32
      %add3A_411 = arith.addi %add3A_402, %add3A_410 : i32
      %dma_start3A_412 = arith.constant 0 : i32
      %dma_start3A_413 = tpu.memref_slice %arg5[%add3A_411, %dma_start3A_412] : memref<50x128xi32, #tpu.memory_space<vmem>> -> memref<1x128xi32, #tpu.memory_space<vmem>>
      %dma_start3A_414 = tpu.memref_squeeze %dma_start3A_413 : memref<1x128xi32, #tpu.memory_space<vmem>> -> memref<128xi32, #tpu.memory_space<vmem>>
      %dma_start3A_415 = arith.constant 0 : i32
      %dma_start3A_416 = arith.constant 0 : i32
      %dma_start3A_417 = tpu.memref_slice %arg3[%dma_start3A_415, %dma_start3A_416] : memref<100001x128xf32, #tpu.memory_space<hbm>> -> memref<100001x128xf32, #tpu.memory_space<hbm>>
      tpu.enqueue_indirect_dma source(%dma_start3A_417 : memref<100001x128xf32, #tpu.memory_space<hbm>>) target(%arg10 : memref<128x128xf32, #tpu.memory_space<vmem>>) offsets(%dma_start3A_414 : memref<128xi32, #tpu.memory_space<vmem>>) semaphore(%arg16 : memref<!tpu.dma_semaphore, #tpu.memory_space<semaphore_mem>>)
      %dma_wait3A_418 = arith.constant 0 : i32
      %dma_wait3A_419 = tpu.memref_slice %arg5[%add3A_402, %dma_wait3A_418] : memref<50x128xi32, #tpu.memory_space<vmem>> -> memref<1x128xi32, #tpu.memory_space<vmem>>
      %dma_wait3A_420 = tpu.memref_squeeze %dma_wait3A_419 : memref<1x128xi32, #tpu.memory_space<vmem>> -> memref<128xi32, #tpu.memory_space<vmem>>
      %dma_wait3A_421 = arith.constant 0 : i32
      %dma_wait3A_422 = arith.constant 0 : i32
      %dma_wait3A_423 = tpu.memref_slice %arg3[%dma_wait3A_421, %dma_wait3A_422] : memref<100001x128xf32, #tpu.memory_space<hbm>> -> memref<100001x128xf32, #tpu.memory_space<hbm>>
      tpu.wait_indirect_dma semaphore(%arg12 : memref<!tpu.dma_semaphore, #tpu.memory_space<semaphore_mem>>) src(%dma_wait3A_423 : memref<100001x128xf32, #tpu.memory_space<hbm>>) dst(%arg6 : memref<128x128xf32, #tpu.memory_space<vmem>>)
      %dma_start3A_424 = arith.constant 0 : i32
      %dma_start3A_425 = tpu.memref_slice %arg4[%add3A_402, %mul3A_2, %dma_start3A_424] : memref<50x4096x128xf32, #tpu.memory_space<hbm>> -> memref<1x128x128xf32, #tpu.memory_space<hbm>>
      %dma_start3A_426 = tpu.memref_squeeze %dma_start3A_425 : memref<1x128x128xf32, #tpu.memory_space<hbm>> -> memref<128x128xf32, #tpu.memory_space<hbm>>
      %dma_start3A_427 = arith.constant 0 : i32
      %dma_start3A_428 = tpu.memref_slice %arg4[%add3A_402, %mul3A_2, %dma_start3A_427] : memref<50x4096x128xf32, #tpu.memory_space<hbm>> -> memref<1x128x128xf32, #tpu.memory_space<hbm>>
      %dma_start3A_429 = tpu.memref_squeeze %dma_start3A_428 : memref<1x128x128xf32, #tpu.memory_space<hbm>> -> memref<128x128xf32, #tpu.memory_space<hbm>>
      tpu.enqueue_dma source(%arg6 : memref<128x128xf32, #tpu.memory_space<vmem>>) target(%dma_start3A_429 : memref<128x128xf32, #tpu.memory_space<hbm>>) target_semaphore(%arg18 : memref<!tpu.dma_semaphore, #tpu.memory_space<semaphore_mem>>)
      %add3A_430 = arith.constant 1 : i32
      %add3A_431 = arith.addi %mul3A_400, %add3A_430 : i32
      %sub3A_432 = arith.constant 2 : i32
      %sub3A_433 = arith.subi %add3A_431, %sub3A_432 : i32
      %dma_wait3A_434 = arith.constant 0 : i32
      %dma_wait3A_435 = tpu.memref_slice %arg4[%sub3A_433, %mul3A_2, %dma_wait3A_434] : memref<50x4096x128xf32, #tpu.memory_space<hbm>> -> memref<1x128x128xf32, #tpu.memory_space<hbm>>
      %dma_wait3A_436 = tpu.memref_squeeze %dma_wait3A_435 : memref<1x128x128xf32, #tpu.memory_space<hbm>> -> memref<128x128xf32, #tpu.memory_space<hbm>>
      %dma_wait3A_437 = arith.constant 0 : i32
      %dma_wait3A_438 = tpu.memref_slice %arg4[%sub3A_433, %mul3A_2, %dma_wait3A_437] : memref<50x4096x128xf32, #tpu.memory_space<hbm>> -> memref<1x128x128xf32, #tpu.memory_space<hbm>>
      %dma_wait3A_439 = tpu.memref_squeeze %dma_wait3A_438 : memref<1x128x128xf32, #tpu.memory_space<hbm>> -> memref<128x128xf32, #tpu.memory_space<hbm>>
      tpu.wait_dma2 semaphore(%arg23 : memref<!tpu.dma_semaphore, #tpu.memory_space<semaphore_mem>>) src(%arg11 : memref<128x128xf32, #tpu.memory_space<vmem>>) dst(%dma_wait3A_439 : memref<128x128xf32, #tpu.memory_space<hbm>>)
      %add3A_440 = arith.constant 4 : i32
      %add3A_441 = arith.addi %add3A_431, %add3A_440 : i32
      %dma_start3A_442 = arith.constant 0 : i32
      %dma_start3A_443 = tpu.memref_slice %arg5[%add3A_441, %dma_start3A_442] : memref<50x128xi32, #tpu.memory_space<vmem>> -> memref<1x128xi32, #tpu.memory_space<vmem>>
      %dma_start3A_444 = tpu.memref_squeeze %dma_start3A_443 : memref<1x128xi32, #tpu.memory_space<vmem>> -> memref<128xi32, #tpu.memory_space<vmem>>
      %dma_start3A_445 = arith.constant 0 : i32
      %dma_start3A_446 = arith.constant 0 : i32
      %dma_start3A_447 = tpu.memref_slice %arg3[%dma_start3A_445, %dma_start3A_446] : memref<100001x128xf32, #tpu.memory_space<hbm>> -> memref<100001x128xf32, #tpu.memory_space<hbm>>
      tpu.enqueue_indirect_dma source(%dma_start3A_447 : memref<100001x128xf32, #tpu.memory_space<hbm>>) target(%arg11 : memref<128x128xf32, #tpu.memory_space<vmem>>) offsets(%dma_start3A_444 : memref<128xi32, #tpu.memory_space<vmem>>) semaphore(%arg17 : memref<!tpu.dma_semaphore, #tpu.memory_space<semaphore_mem>>)
      %dma_wait3A_448 = arith.constant 0 : i32
      %dma_wait3A_449 = tpu.memref_slice %arg5[%add3A_431, %dma_wait3A_448] : memref<50x128xi32, #tpu.memory_space<vmem>> -> memref<1x128xi32, #tpu.memory_space<vmem>>
      %dma_wait3A_450 = tpu.memref_squeeze %dma_wait3A_449 : memref<1x128xi32, #tpu.memory_space<vmem>> -> memref<128xi32, #tpu.memory_space<vmem>>
      %dma_wait3A_451 = arith.constant 0 : i32
      %dma_wait3A_452 = arith.constant 0 : i32
      %dma_wait3A_453 = tpu.memref_slice %arg3[%dma_wait3A_451, %dma_wait3A_452] : memref<100001x128xf32, #tpu.memory_space<hbm>> -> memref<100001x128xf32, #tpu.memory_space<hbm>>
      tpu.wait_indirect_dma semaphore(%arg13 : memref<!tpu.dma_semaphore, #tpu.memory_space<semaphore_mem>>) src(%dma_wait3A_453 : memref<100001x128xf32, #tpu.memory_space<hbm>>) dst(%arg7 : memref<128x128xf32, #tpu.memory_space<vmem>>)
      %dma_start3A_454 = arith.constant 0 : i32
      %dma_start3A_455 = tpu.memref_slice %arg4[%add3A_431, %mul3A_2, %dma_start3A_454] : memref<50x4096x128xf32, #tpu.memory_space<hbm>> -> memref<1x128x128xf32, #tpu.memory_space<hbm>>
      %dma_start3A_456 = tpu.memref_squeeze %dma_start3A_455 : memref<1x128x128xf32, #tpu.memory_space<hbm>> -> memref<128x128xf32, #tpu.memory_space<hbm>>
      %dma_start3A_457 = arith.constant 0 : i32
      %dma_start3A_458 = tpu.memref_slice %arg4[%add3A_431, %mul3A_2, %dma_start3A_457] : memref<50x4096x128xf32, #tpu.memory_space<hbm>> -> memref<1x128x128xf32, #tpu.memory_space<hbm>>
      %dma_start3A_459 = tpu.memref_squeeze %dma_start3A_458 : memref<1x128x128xf32, #tpu.memory_space<hbm>> -> memref<128x128xf32, #tpu.memory_space<hbm>>
      tpu.enqueue_dma source(%arg7 : memref<128x128xf32, #tpu.memory_space<vmem>>) target(%dma_start3A_459 : memref<128x128xf32, #tpu.memory_space<hbm>>) target_semaphore(%arg19 : memref<!tpu.dma_semaphore, #tpu.memory_space<semaphore_mem>>)
      %add3A_460 = arith.constant 2 : i32
      %add3A_461 = arith.addi %mul3A_400, %add3A_460 : i32
      %sub3A_462 = arith.constant 2 : i32
      %sub3A_463 = arith.subi %add3A_461, %sub3A_462 : i32
      %dma_wait3A_464 = arith.constant 0 : i32
      %dma_wait3A_465 = tpu.memref_slice %arg4[%sub3A_463, %mul3A_2, %dma_wait3A_464] : memref<50x4096x128xf32, #tpu.memory_space<hbm>> -> memref<1x128x128xf32, #tpu.memory_space<hbm>>
      %dma_wait3A_466 = tpu.memref_squeeze %dma_wait3A_465 : memref<1x128x128xf32, #tpu.memory_space<hbm>> -> memref<128x128xf32, #tpu.memory_space<hbm>>
      %dma_wait3A_467 = arith.constant 0 : i32
      %dma_wait3A_468 = tpu.memref_slice %arg4[%sub3A_463, %mul3A_2, %dma_wait3A_467] : memref<50x4096x128xf32, #tpu.memory_space<hbm>> -> memref<1x128x128xf32, #tpu.memory_space<hbm>>
      %dma_wait3A_469 = tpu.memref_squeeze %dma_wait3A_468 : memref<1x128x128xf32, #tpu.memory_space<hbm>> -> memref<128x128xf32, #tpu.memory_space<hbm>>
      tpu.wait_dma2 semaphore(%arg18 : memref<!tpu.dma_semaphore, #tpu.memory_space<semaphore_mem>>) src(%arg6 : memref<128x128xf32, #tpu.memory_space<vmem>>) dst(%dma_wait3A_469 : memref<128x128xf32, #tpu.memory_space<hbm>>)
      %add3A_470 = arith.constant 4 : i32
      %add3A_471 = arith.addi %add3A_461, %add3A_470 : i32
      %dma_start3A_472 = arith.constant 0 : i32
      %dma_start3A_473 = tpu.memref_slice %arg5[%add3A_471, %dma_start3A_472] : memref<50x128xi32, #tpu.memory_space<vmem>> -> memref<1x128xi32, #tpu.memory_space<vmem>>
      %dma_start3A_474 = tpu.memref_squeeze %dma_start3A_473 : memref<1x128xi32, #tpu.memory_space<vmem>> -> memref<128xi32, #tpu.memory_space<vmem>>
      %dma_start3A_475 = arith.constant 0 : i32
      %dma_start3A_476 = arith.constant 0 : i32
      %dma_start3A_477 = tpu.memref_slice %arg3[%dma_start3A_475, %dma_start3A_476] : memref<100001x128xf32, #tpu.memory_space<hbm>> -> memref<100001x128xf32, #tpu.memory_space<hbm>>
      tpu.enqueue_indirect_dma source(%dma_start3A_477 : memref<100001x128xf32, #tpu.memory_space<hbm>>) target(%arg6 : memref<128x128xf32, #tpu.memory_space<vmem>>) offsets(%dma_start3A_474 : memref<128xi32, #tpu.memory_space<vmem>>) semaphore(%arg12 : memref<!tpu.dma_semaphore, #tpu.memory_space<semaphore_mem>>)
      %dma_wait3A_478 = arith.constant 0 : i32
      %dma_wait3A_479 = tpu.memref_slice %arg5[%add3A_461, %dma_wait3A_478] : memref<50x128xi32, #tpu.memory_space<vmem>> -> memref<1x128xi32, #tpu.memory_space<vmem>>
      %dma_wait3A_480 = tpu.memref_squeeze %dma_wait3A_479 : memref<1x128xi32, #tpu.memory_space<vmem>> -> memref<128xi32, #tpu.memory_space<vmem>>
      %dma_wait3A_481 = arith.constant 0 : i32
      %dma_wait3A_482 = arith.constant 0 : i32
      %dma_wait3A_483 = tpu.memref_slice %arg3[%dma_wait3A_481, %dma_wait3A_482] : memref<100001x128xf32, #tpu.memory_space<hbm>> -> memref<100001x128xf32, #tpu.memory_space<hbm>>
      tpu.wait_indirect_dma semaphore(%arg14 : memref<!tpu.dma_semaphore, #tpu.memory_space<semaphore_mem>>) src(%dma_wait3A_483 : memref<100001x128xf32, #tpu.memory_space<hbm>>) dst(%arg8 : memref<128x128xf32, #tpu.memory_space<vmem>>)
      %dma_start3A_484 = arith.constant 0 : i32
      %dma_start3A_485 = tpu.memref_slice %arg4[%add3A_461, %mul3A_2, %dma_start3A_484] : memref<50x4096x128xf32, #tpu.memory_space<hbm>> -> memref<1x128x128xf32, #tpu.memory_space<hbm>>
      %dma_start3A_486 = tpu.memref_squeeze %dma_start3A_485 : memref<1x128x128xf32, #tpu.memory_space<hbm>> -> memref<128x128xf32, #tpu.memory_space<hbm>>
      %dma_start3A_487 = arith.constant 0 : i32
      %dma_start3A_488 = tpu.memref_slice %arg4[%add3A_461, %mul3A_2, %dma_start3A_487] : memref<50x4096x128xf32, #tpu.memory_space<hbm>> -> memref<1x128x128xf32, #tpu.memory_space<hbm>>
      %dma_start3A_489 = tpu.memref_squeeze %dma_start3A_488 : memref<1x128x128xf32, #tpu.memory_space<hbm>> -> memref<128x128xf32, #tpu.memory_space<hbm>>
      tpu.enqueue_dma source(%arg8 : memref<128x128xf32, #tpu.memory_space<vmem>>) target(%dma_start3A_489 : memref<128x128xf32, #tpu.memory_space<hbm>>) target_semaphore(%arg20 : memref<!tpu.dma_semaphore, #tpu.memory_space<semaphore_mem>>)
      %add3A_490 = arith.constant 3 : i32
      %add3A_491 = arith.addi %mul3A_400, %add3A_490 : i32
      %sub3A_492 = arith.constant 2 : i32
      %sub3A_493 = arith.subi %add3A_491, %sub3A_492 : i32
      %dma_wait3A_494 = arith.constant 0 : i32
      %dma_wait3A_495 = tpu.memref_slice %arg4[%sub3A_493, %mul3A_2, %dma_wait3A_494] : memref<50x4096x128xf32, #tpu.memory_space<hbm>> -> memref<1x128x128xf32, #tpu.memory_space<hbm>>
      %dma_wait3A_496 = tpu.memref_squeeze %dma_wait3A_495 : memref<1x128x128xf32, #tpu.memory_space<hbm>> -> memref<128x128xf32, #tpu.memory_space<hbm>>
      %dma_wait3A_497 = arith.constant 0 : i32
      %dma_wait3A_498 = tpu.memref_slice %arg4[%sub3A_493, %mul3A_2, %dma_wait3A_497] : memref<50x4096x128xf32, #tpu.memory_space<hbm>> -> memref<1x128x128xf32, #tpu.memory_space<hbm>>
      %dma_wait3A_499 = tpu.memref_squeeze %dma_wait3A_498 : memref<1x128x128xf32, #tpu.memory_space<hbm>> -> memref<128x128xf32, #tpu.memory_space<hbm>>
      tpu.wait_dma2 semaphore(%arg19 : memref<!tpu.dma_semaphore, #tpu.memory_space<semaphore_mem>>) src(%arg7 : memref<128x128xf32, #tpu.memory_space<vmem>>) dst(%dma_wait3A_499 : memref<128x128xf32, #tpu.memory_space<hbm>>)
      %add3A_500 = arith.constant 4 : i32
      %add3A_501 = arith.addi %add3A_491, %add3A_500 : i32
      %dma_start3A_502 = arith.constant 0 : i32
      %dma_start3A_503 = tpu.memref_slice %arg5[%add3A_501, %dma_start3A_502] : memref<50x128xi32, #tpu.memory_space<vmem>> -> memref<1x128xi32, #tpu.memory_space<vmem>>
      %dma_start3A_504 = tpu.memref_squeeze %dma_start3A_503 : memref<1x128xi32, #tpu.memory_space<vmem>> -> memref<128xi32, #tpu.memory_space<vmem>>
      %dma_start3A_505 = arith.constant 0 : i32
      %dma_start3A_506 = arith.constant 0 : i32
      %dma_start3A_507 = tpu.memref_slice %arg3[%dma_start3A_505, %dma_start3A_506] : memref<100001x128xf32, #tpu.memory_space<hbm>> -> memref<100001x128xf32, #tpu.memory_space<hbm>>
      tpu.enqueue_indirect_dma source(%dma_start3A_507 : memref<100001x128xf32, #tpu.memory_space<hbm>>) target(%arg7 : memref<128x128xf32, #tpu.memory_space<vmem>>) offsets(%dma_start3A_504 : memref<128xi32, #tpu.memory_space<vmem>>) semaphore(%arg13 : memref<!tpu.dma_semaphore, #tpu.memory_space<semaphore_mem>>)
      %dma_wait3A_508 = arith.constant 0 : i32
      %dma_wait3A_509 = tpu.memref_slice %arg5[%add3A_491, %dma_wait3A_508] : memref<50x128xi32, #tpu.memory_space<vmem>> -> memref<1x128xi32, #tpu.memory_space<vmem>>
      %dma_wait3A_510 = tpu.memref_squeeze %dma_wait3A_509 : memref<1x128xi32, #tpu.memory_space<vmem>> -> memref<128xi32, #tpu.memory_space<vmem>>
      %dma_wait3A_511 = arith.constant 0 : i32
      %dma_wait3A_512 = arith.constant 0 : i32
      %dma_wait3A_513 = tpu.memref_slice %arg3[%dma_wait3A_511, %dma_wait3A_512] : memref<100001x128xf32, #tpu.memory_space<hbm>> -> memref<100001x128xf32, #tpu.memory_space<hbm>>
      tpu.wait_indirect_dma semaphore(%arg15 : memref<!tpu.dma_semaphore, #tpu.memory_space<semaphore_mem>>) src(%dma_wait3A_513 : memref<100001x128xf32, #tpu.memory_space<hbm>>) dst(%arg9 : memref<128x128xf32, #tpu.memory_space<vmem>>)
      %dma_start3A_514 = arith.constant 0 : i32
      %dma_start3A_515 = tpu.memref_slice %arg4[%add3A_491, %mul3A_2, %dma_start3A_514] : memref<50x4096x128xf32, #tpu.memory_space<hbm>> -> memref<1x128x128xf32, #tpu.memory_space<hbm>>
      %dma_start3A_516 = tpu.memref_squeeze %dma_start3A_515 : memref<1x128x128xf32, #tpu.memory_space<hbm>> -> memref<128x128xf32, #tpu.memory_space<hbm>>
      %dma_start3A_517 = arith.constant 0 : i32
      %dma_start3A_518 = tpu.memref_slice %arg4[%add3A_491, %mul3A_2, %dma_start3A_517] : memref<50x4096x128xf32, #tpu.memory_space<hbm>> -> memref<1x128x128xf32, #tpu.memory_space<hbm>>
      %dma_start3A_519 = tpu.memref_squeeze %dma_start3A_518 : memref<1x128x128xf32, #tpu.memory_space<hbm>> -> memref<128x128xf32, #tpu.memory_space<hbm>>
      tpu.enqueue_dma source(%arg9 : memref<128x128xf32, #tpu.memory_space<vmem>>) target(%dma_start3A_519 : memref<128x128xf32, #tpu.memory_space<hbm>>) target_semaphore(%arg21 : memref<!tpu.dma_semaphore, #tpu.memory_space<semaphore_mem>>)
      %add3A_520 = arith.constant 4 : i32
      %add3A_521 = arith.addi %mul3A_400, %add3A_520 : i32
      %sub3A_522 = arith.constant 2 : i32
      %sub3A_523 = arith.subi %add3A_521, %sub3A_522 : i32
      %dma_wait3A_524 = arith.constant 0 : i32
      %dma_wait3A_525 = tpu.memref_slice %arg4[%sub3A_523, %mul3A_2, %dma_wait3A_524] : memref<50x4096x128xf32, #tpu.memory_space<hbm>> -> memref<1x128x128xf32, #tpu.memory_space<hbm>>
      %dma_wait3A_526 = tpu.memref_squeeze %dma_wait3A_525 : memref<1x128x128xf32, #tpu.memory_space<hbm>> -> memref<128x128xf32, #tpu.memory_space<hbm>>
      %dma_wait3A_527 = arith.constant 0 : i32
      %dma_wait3A_528 = tpu.memref_slice %arg4[%sub3A_523, %mul3A_2, %dma_wait3A_527] : memref<50x4096x128xf32, #tpu.memory_space<hbm>> -> memref<1x128x128xf32, #tpu.memory_space<hbm>>
      %dma_wait3A_529 = tpu.memref_squeeze %dma_wait3A_528 : memref<1x128x128xf32, #tpu.memory_space<hbm>> -> memref<128x128xf32, #tpu.memory_space<hbm>>
      tpu.wait_dma2 semaphore(%arg20 : memref<!tpu.dma_semaphore, #tpu.memory_space<semaphore_mem>>) src(%arg8 : memref<128x128xf32, #tpu.memory_space<vmem>>) dst(%dma_wait3A_529 : memref<128x128xf32, #tpu.memory_space<hbm>>)
      %add3A_530 = arith.constant 4 : i32
      %add3A_531 = arith.addi %add3A_521, %add3A_530 : i32
      %dma_start3A_532 = arith.constant 0 : i32
      %dma_start3A_533 = tpu.memref_slice %arg5[%add3A_531, %dma_start3A_532] : memref<50x128xi32, #tpu.memory_space<vmem>> -> memref<1x128xi32, #tpu.memory_space<vmem>>
      %dma_start3A_534 = tpu.memref_squeeze %dma_start3A_533 : memref<1x128xi32, #tpu.memory_space<vmem>> -> memref<128xi32, #tpu.memory_space<vmem>>
      %dma_start3A_535 = arith.constant 0 : i32
      %dma_start3A_536 = arith.constant 0 : i32
      %dma_start3A_537 = tpu.memref_slice %arg3[%dma_start3A_535, %dma_start3A_536] : memref<100001x128xf32, #tpu.memory_space<hbm>> -> memref<100001x128xf32, #tpu.memory_space<hbm>>
      tpu.enqueue_indirect_dma source(%dma_start3A_537 : memref<100001x128xf32, #tpu.memory_space<hbm>>) target(%arg8 : memref<128x128xf32, #tpu.memory_space<vmem>>) offsets(%dma_start3A_534 : memref<128xi32, #tpu.memory_space<vmem>>) semaphore(%arg14 : memref<!tpu.dma_semaphore, #tpu.memory_space<semaphore_mem>>)
      %dma_wait3A_538 = arith.constant 0 : i32
      %dma_wait3A_539 = tpu.memref_slice %arg5[%add3A_521, %dma_wait3A_538] : memref<50x128xi32, #tpu.memory_space<vmem>> -> memref<1x128xi32, #tpu.memory_space<vmem>>
      %dma_wait3A_540 = tpu.memref_squeeze %dma_wait3A_539 : memref<1x128xi32, #tpu.memory_space<vmem>> -> memref<128xi32, #tpu.memory_space<vmem>>
      %dma_wait3A_541 = arith.constant 0 : i32
      %dma_wait3A_542 = arith.constant 0 : i32
      %dma_wait3A_543 = tpu.memref_slice %arg3[%dma_wait3A_541, %dma_wait3A_542] : memref<100001x128xf32, #tpu.memory_space<hbm>> -> memref<100001x128xf32, #tpu.memory_space<hbm>>
      tpu.wait_indirect_dma semaphore(%arg16 : memref<!tpu.dma_semaphore, #tpu.memory_space<semaphore_mem>>) src(%dma_wait3A_543 : memref<100001x128xf32, #tpu.memory_space<hbm>>) dst(%arg10 : memref<128x128xf32, #tpu.memory_space<vmem>>)
      %dma_start3A_544 = arith.constant 0 : i32
      %dma_start3A_545 = tpu.memref_slice %arg4[%add3A_521, %mul3A_2, %dma_start3A_544] : memref<50x4096x128xf32, #tpu.memory_space<hbm>> -> memref<1x128x128xf32, #tpu.memory_space<hbm>>
      %dma_start3A_546 = tpu.memref_squeeze %dma_start3A_545 : memref<1x128x128xf32, #tpu.memory_space<hbm>> -> memref<128x128xf32, #tpu.memory_space<hbm>>
      %dma_start3A_547 = arith.constant 0 : i32
      %dma_start3A_548 = tpu.memref_slice %arg4[%add3A_521, %mul3A_2, %dma_start3A_547] : memref<50x4096x128xf32, #tpu.memory_space<hbm>> -> memref<1x128x128xf32, #tpu.memory_space<hbm>>
      %dma_start3A_549 = tpu.memref_squeeze %dma_start3A_548 : memref<1x128x128xf32, #tpu.memory_space<hbm>> -> memref<128x128xf32, #tpu.memory_space<hbm>>
      tpu.enqueue_dma source(%arg10 : memref<128x128xf32, #tpu.memory_space<vmem>>) target(%dma_start3A_549 : memref<128x128xf32, #tpu.memory_space<hbm>>) target_semaphore(%arg22 : memref<!tpu.dma_semaphore, #tpu.memory_space<semaphore_mem>>)
      %add3A_550 = arith.constant 5 : i32
      %add3A_551 = arith.addi %mul3A_400, %add3A_550 : i32
      %sub3A_552 = arith.constant 2 : i32
      %sub3A_553 = arith.subi %add3A_551, %sub3A_552 : i32
      %dma_wait3A_554 = arith.constant 0 : i32
      %dma_wait3A_555 = tpu.memref_slice %arg4[%sub3A_553, %mul3A_2, %dma_wait3A_554] : memref<50x4096x128xf32, #tpu.memory_space<hbm>> -> memref<1x128x128xf32, #tpu.memory_space<hbm>>
      %dma_wait3A_556 = tpu.memref_squeeze %dma_wait3A_555 : memref<1x128x128xf32, #tpu.memory_space<hbm>> -> memref<128x128xf32, #tpu.memory_space<hbm>>
      %dma_wait3A_557 = arith.constant 0 : i32
      %dma_wait3A_558 = tpu.memref_slice %arg4[%sub3A_553, %mul3A_2, %dma_wait3A_557] : memref<50x4096x128xf32, #tpu.memory_space<hbm>> -> memref<1x128x128xf32, #tpu.memory_space<hbm>>
      %dma_wait3A_559 = tpu.memref_squeeze %dma_wait3A_558 : memref<1x128x128xf32, #tpu.memory_space<hbm>> -> memref<128x128xf32, #tpu.memory_space<hbm>>
      tpu.wait_dma2 semaphore(%arg21 : memref<!tpu.dma_semaphore, #tpu.memory_space<semaphore_mem>>) src(%arg9 : memref<128x128xf32, #tpu.memory_space<vmem>>) dst(%dma_wait3A_559 : memref<128x128xf32, #tpu.memory_space<hbm>>)
      %add3A_560 = arith.constant 4 : i32
      %add3A_561 = arith.addi %add3A_551, %add3A_560 : i32
      %dma_start3A_562 = arith.constant 0 : i32
      %dma_start3A_563 = tpu.memref_slice %arg5[%add3A_561, %dma_start3A_562] : memref<50x128xi32, #tpu.memory_space<vmem>> -> memref<1x128xi32, #tpu.memory_space<vmem>>
      %dma_start3A_564 = tpu.memref_squeeze %dma_start3A_563 : memref<1x128xi32, #tpu.memory_space<vmem>> -> memref<128xi32, #tpu.memory_space<vmem>>
      %dma_start3A_565 = arith.constant 0 : i32
      %dma_start3A_566 = arith.constant 0 : i32
      %dma_start3A_567 = tpu.memref_slice %arg3[%dma_start3A_565, %dma_start3A_566] : memref<100001x128xf32, #tpu.memory_space<hbm>> -> memref<100001x128xf32, #tpu.memory_space<hbm>>
      tpu.enqueue_indirect_dma source(%dma_start3A_567 : memref<100001x128xf32, #tpu.memory_space<hbm>>) target(%arg9 : memref<128x128xf32, #tpu.memory_space<vmem>>) offsets(%dma_start3A_564 : memref<128xi32, #tpu.memory_space<vmem>>) semaphore(%arg15 : memref<!tpu.dma_semaphore, #tpu.memory_space<semaphore_mem>>)
      %dma_wait3A_568 = arith.constant 0 : i32
      %dma_wait3A_569 = tpu.memref_slice %arg5[%add3A_551, %dma_wait3A_568] : memref<50x128xi32, #tpu.memory_space<vmem>> -> memref<1x128xi32, #tpu.memory_space<vmem>>
      %dma_wait3A_570 = tpu.memref_squeeze %dma_wait3A_569 : memref<1x128xi32, #tpu.memory_space<vmem>> -> memref<128xi32, #tpu.memory_space<vmem>>
      %dma_wait3A_571 = arith.constant 0 : i32
      %dma_wait3A_572 = arith.constant 0 : i32
      %dma_wait3A_573 = tpu.memref_slice %arg3[%dma_wait3A_571, %dma_wait3A_572] : memref<100001x128xf32, #tpu.memory_space<hbm>> -> memref<100001x128xf32, #tpu.memory_space<hbm>>
      tpu.wait_indirect_dma semaphore(%arg17 : memref<!tpu.dma_semaphore, #tpu.memory_space<semaphore_mem>>) src(%dma_wait3A_573 : memref<100001x128xf32, #tpu.memory_space<hbm>>) dst(%arg11 : memref<128x128xf32, #tpu.memory_space<vmem>>)
      %dma_start3A_574 = arith.constant 0 : i32
      %dma_start3A_575 = tpu.memref_slice %arg4[%add3A_551, %mul3A_2, %dma_start3A_574] : memref<50x4096x128xf32, #tpu.memory_space<hbm>> -> memref<1x128x128xf32, #tpu.memory_space<hbm>>
      %dma_start3A_576 = tpu.memref_squeeze %dma_start3A_575 : memref<1x128x128xf32, #tpu.memory_space<hbm>> -> memref<128x128xf32, #tpu.memory_space<hbm>>
      %dma_start3A_577 = arith.constant 0 : i32
      %dma_start3A_578 = tpu.memref_slice %arg4[%add3A_551, %mul3A_2, %dma_start3A_577] : memref<50x4096x128xf32, #tpu.memory_space<hbm>> -> memref<1x128x128xf32, #tpu.memory_space<hbm>>
      %dma_start3A_579 = tpu.memref_squeeze %dma_start3A_578 : memref<1x128x128xf32, #tpu.memory_space<hbm>> -> memref<128x128xf32, #tpu.memory_space<hbm>>
      tpu.enqueue_dma source(%arg11 : memref<128x128xf32, #tpu.memory_space<vmem>>) target(%dma_start3A_579 : memref<128x128xf32, #tpu.memory_space<hbm>>) target_semaphore(%arg23 : memref<!tpu.dma_semaphore, #tpu.memory_space<semaphore_mem>>)
    }
    %scan3A_187 = arith.constant 6 : i32
    %dma_wait3A_188 = arith.constant 40 : i32
    %dma_wait3A_189 = arith.constant 0 : i32
    %dma_wait3A_190 = tpu.memref_slice %arg4[%dma_wait3A_188, %mul3A_2, %dma_wait3A_189] : memref<50x4096x128xf32, #tpu.memory_space<hbm>> -> memref<1x128x128xf32, #tpu.memory_space<hbm>>
    %dma_wait3A_191 = tpu.memref_squeeze %dma_wait3A_190 : memref<1x128x128xf32, #tpu.memory_space<hbm>> -> memref<128x128xf32, #tpu.memory_space<hbm>>
    %dma_wait3A_192 = arith.constant 0 : i32
    %dma_wait3A_193 = tpu.memref_slice %arg4[%dma_wait3A_188, %mul3A_2, %dma_wait3A_192] : memref<50x4096x128xf32, #tpu.memory_space<hbm>> -> memref<1x128x128xf32, #tpu.memory_space<hbm>>
    %dma_wait3A_194 = tpu.memref_squeeze %dma_wait3A_193 : memref<1x128x128xf32, #tpu.memory_space<hbm>> -> memref<128x128xf32, #tpu.memory_space<hbm>>
    tpu.wait_dma2 semaphore(%arg22 : memref<!tpu.dma_semaphore, #tpu.memory_space<semaphore_mem>>) src(%arg10 : memref<128x128xf32, #tpu.memory_space<vmem>>) dst(%dma_wait3A_194 : memref<128x128xf32, #tpu.memory_space<hbm>>)
    %dma_start3A_195 = arith.constant 46 : i32
    %dma_start3A_196 = arith.constant 0 : i32
    %dma_start3A_197 = tpu.memref_slice %arg5[%dma_start3A_195, %dma_start3A_196] : memref<50x128xi32, #tpu.memory_space<vmem>> -> memref<1x128xi32, #tpu.memory_space<vmem>>
    %dma_start3A_198 = tpu.memref_squeeze %dma_start3A_197 : memref<1x128xi32, #tpu.memory_space<vmem>> -> memref<128xi32, #tpu.memory_space<vmem>>
    %dma_start3A_199 = arith.constant 0 : i32
    %dma_start3A_200 = arith.constant 0 : i32
    %dma_start3A_201 = tpu.memref_slice %arg3[%dma_start3A_199, %dma_start3A_200] : memref<100001x128xf32, #tpu.memory_space<hbm>> -> memref<100001x128xf32, #tpu.memory_space<hbm>>
    tpu.enqueue_indirect_dma source(%dma_start3A_201 : memref<100001x128xf32, #tpu.memory_space<hbm>>) target(%arg10 : memref<128x128xf32, #tpu.memory_space<vmem>>) offsets(%dma_start3A_198 : memref<128xi32, #tpu.memory_space<vmem>>) semaphore(%arg16 : memref<!tpu.dma_semaphore, #tpu.memory_space<semaphore_mem>>)
    %dma_wait3A_202 = arith.constant 42 : i32
    %dma_wait3A_203 = arith.constant 0 : i32
    %dma_wait3A_204 = tpu.memref_slice %arg5[%dma_wait3A_202, %dma_wait3A_203] : memref<50x128xi32, #tpu.memory_space<vmem>> -> memref<1x128xi32, #tpu.memory_space<vmem>>
    %dma_wait3A_205 = tpu.memref_squeeze %dma_wait3A_204 : memref<1x128xi32, #tpu.memory_space<vmem>> -> memref<128xi32, #tpu.memory_space<vmem>>
    %dma_wait3A_206 = arith.constant 0 : i32
    %dma_wait3A_207 = arith.constant 0 : i32
    %dma_wait3A_208 = tpu.memref_slice %arg3[%dma_wait3A_206, %dma_wait3A_207] : memref<100001x128xf32, #tpu.memory_space<hbm>> -> memref<100001x128xf32, #tpu.memory_space<hbm>>
    tpu.wait_indirect_dma semaphore(%arg12 : memref<!tpu.dma_semaphore, #tpu.memory_space<semaphore_mem>>) src(%dma_wait3A_208 : memref<100001x128xf32, #tpu.memory_space<hbm>>) dst(%arg6 : memref<128x128xf32, #tpu.memory_space<vmem>>)
    %dma_start3A_209 = arith.constant 42 : i32
    %dma_start3A_210 = arith.constant 0 : i32
    %dma_start3A_211 = tpu.memref_slice %arg4[%dma_start3A_209, %mul3A_2, %dma_start3A_210] : memref<50x4096x128xf32, #tpu.memory_space<hbm>> -> memref<1x128x128xf32, #tpu.memory_space<hbm>>
    %dma_start3A_212 = tpu.memref_squeeze %dma_start3A_211 : memref<1x128x128xf32, #tpu.memory_space<hbm>> -> memref<128x128xf32, #tpu.memory_space<hbm>>
    %dma_start3A_213 = arith.constant 0 : i32
    %dma_start3A_214 = tpu.memref_slice %arg4[%dma_start3A_209, %mul3A_2, %dma_start3A_213] : memref<50x4096x128xf32, #tpu.memory_space<hbm>> -> memref<1x128x128xf32, #tpu.memory_space<hbm>>
    %dma_start3A_215 = tpu.memref_squeeze %dma_start3A_214 : memref<1x128x128xf32, #tpu.memory_space<hbm>> -> memref<128x128xf32, #tpu.memory_space<hbm>>
    tpu.enqueue_dma source(%arg6 : memref<128x128xf32, #tpu.memory_space<vmem>>) target(%dma_start3A_215 : memref<128x128xf32, #tpu.memory_space<hbm>>) target_semaphore(%arg18 : memref<!tpu.dma_semaphore, #tpu.memory_space<semaphore_mem>>)
    %dma_wait3A_216 = arith.constant 41 : i32
    %dma_wait3A_217 = arith.constant 0 : i32
    %dma_wait3A_218 = tpu.memref_slice %arg4[%dma_wait3A_216, %mul3A_2, %dma_wait3A_217] : memref<50x4096x128xf32, #tpu.memory_space<hbm>> -> memref<1x128x128xf32, #tpu.memory_space<hbm>>
    %dma_wait3A_219 = tpu.memref_squeeze %dma_wait3A_218 : memref<1x128x128xf32, #tpu.memory_space<hbm>> -> memref<128x128xf32, #tpu.memory_space<hbm>>
    %dma_wait3A_220 = arith.constant 0 : i32
    %dma_wait3A_221 = tpu.memref_slice %arg4[%dma_wait3A_216, %mul3A_2, %dma_wait3A_220] : memref<50x4096x128xf32, #tpu.memory_space<hbm>> -> memref<1x128x128xf32, #tpu.memory_space<hbm>>
    %dma_wait3A_222 = tpu.memref_squeeze %dma_wait3A_221 : memref<1x128x128xf32, #tpu.memory_space<hbm>> -> memref<128x128xf32, #tpu.memory_space<hbm>>
    tpu.wait_dma2 semaphore(%arg23 : memref<!tpu.dma_semaphore, #tpu.memory_space<semaphore_mem>>) src(%arg11 : memref<128x128xf32, #tpu.memory_space<vmem>>) dst(%dma_wait3A_222 : memref<128x128xf32, #tpu.memory_space<hbm>>)
    %dma_start3A_223 = arith.constant 47 : i32
    %dma_start3A_224 = arith.constant 0 : i32
    %dma_start3A_225 = tpu.memref_slice %arg5[%dma_start3A_223, %dma_start3A_224] : memref<50x128xi32, #tpu.memory_space<vmem>> -> memref<1x128xi32, #tpu.memory_space<vmem>>
    %dma_start3A_226 = tpu.memref_squeeze %dma_start3A_225 : memref<1x128xi32, #tpu.memory_space<vmem>> -> memref<128xi32, #tpu.memory_space<vmem>>
    %dma_start3A_227 = arith.constant 0 : i32
    %dma_start3A_228 = arith.constant 0 : i32
    %dma_start3A_229 = tpu.memref_slice %arg3[%dma_start3A_227, %dma_start3A_228] : memref<100001x128xf32, #tpu.memory_space<hbm>> -> memref<100001x128xf32, #tpu.memory_space<hbm>>
    tpu.enqueue_indirect_dma source(%dma_start3A_229 : memref<100001x128xf32, #tpu.memory_space<hbm>>) target(%arg11 : memref<128x128xf32, #tpu.memory_space<vmem>>) offsets(%dma_start3A_226 : memref<128xi32, #tpu.memory_space<vmem>>) semaphore(%arg17 : memref<!tpu.dma_semaphore, #tpu.memory_space<semaphore_mem>>)
    %dma_wait3A_230 = arith.constant 43 : i32
    %dma_wait3A_231 = arith.constant 0 : i32
    %dma_wait3A_232 = tpu.memref_slice %arg5[%dma_wait3A_230, %dma_wait3A_231] : memref<50x128xi32, #tpu.memory_space<vmem>> -> memref<1x128xi32, #tpu.memory_space<vmem>>
    %dma_wait3A_233 = tpu.memref_squeeze %dma_wait3A_232 : memref<1x128xi32, #tpu.memory_space<vmem>> -> memref<128xi32, #tpu.memory_space<vmem>>
    %dma_wait3A_234 = arith.constant 0 : i32
    %dma_wait3A_235 = arith.constant 0 : i32
    %dma_wait3A_236 = tpu.memref_slice %arg3[%dma_wait3A_234, %dma_wait3A_235] : memref<100001x128xf32, #tpu.memory_space<hbm>> -> memref<100001x128xf32, #tpu.memory_space<hbm>>
    tpu.wait_indirect_dma semaphore(%arg13 : memref<!tpu.dma_semaphore, #tpu.memory_space<semaphore_mem>>) src(%dma_wait3A_236 : memref<100001x128xf32, #tpu.memory_space<hbm>>) dst(%arg7 : memref<128x128xf32, #tpu.memory_space<vmem>>)
    %dma_start3A_237 = arith.constant 43 : i32
    %dma_start3A_238 = arith.constant 0 : i32
    %dma_start3A_239 = tpu.memref_slice %arg4[%dma_start3A_237, %mul3A_2, %dma_start3A_238] : memref<50x4096x128xf32, #tpu.memory_space<hbm>> -> memref<1x128x128xf32, #tpu.memory_space<hbm>>
    %dma_start3A_240 = tpu.memref_squeeze %dma_start3A_239 : memref<1x128x128xf32, #tpu.memory_space<hbm>> -> memref<128x128xf32, #tpu.memory_space<hbm>>
    %dma_start3A_241 = arith.constant 0 : i32
    %dma_start3A_242 = tpu.memref_slice %arg4[%dma_start3A_237, %mul3A_2, %dma_start3A_241] : memref<50x4096x128xf32, #tpu.memory_space<hbm>> -> memref<1x128x128xf32, #tpu.memory_space<hbm>>
    %dma_start3A_243 = tpu.memref_squeeze %dma_start3A_242 : memref<1x128x128xf32, #tpu.memory_space<hbm>> -> memref<128x128xf32, #tpu.memory_space<hbm>>
    tpu.enqueue_dma source(%arg7 : memref<128x128xf32, #tpu.memory_space<vmem>>) target(%dma_start3A_243 : memref<128x128xf32, #tpu.memory_space<hbm>>) target_semaphore(%arg19 : memref<!tpu.dma_semaphore, #tpu.memory_space<semaphore_mem>>)
    %dma_wait3A_244 = arith.constant 42 : i32
    %dma_wait3A_245 = arith.constant 0 : i32
    %dma_wait3A_246 = tpu.memref_slice %arg4[%dma_wait3A_244, %mul3A_2, %dma_wait3A_245] : memref<50x4096x128xf32, #tpu.memory_space<hbm>> -> memref<1x128x128xf32, #tpu.memory_space<hbm>>
    %dma_wait3A_247 = tpu.memref_squeeze %dma_wait3A_246 : memref<1x128x128xf32, #tpu.memory_space<hbm>> -> memref<128x128xf32, #tpu.memory_space<hbm>>
    %dma_wait3A_248 = arith.constant 0 : i32
    %dma_wait3A_249 = tpu.memref_slice %arg4[%dma_wait3A_244, %mul3A_2, %dma_wait3A_248] : memref<50x4096x128xf32, #tpu.memory_space<hbm>> -> memref<1x128x128xf32, #tpu.memory_space<hbm>>
    %dma_wait3A_250 = tpu.memref_squeeze %dma_wait3A_249 : memref<1x128x128xf32, #tpu.memory_space<hbm>> -> memref<128x128xf32, #tpu.memory_space<hbm>>
    tpu.wait_dma2 semaphore(%arg18 : memref<!tpu.dma_semaphore, #tpu.memory_space<semaphore_mem>>) src(%arg6 : memref<128x128xf32, #tpu.memory_space<vmem>>) dst(%dma_wait3A_250 : memref<128x128xf32, #tpu.memory_space<hbm>>)
    %dma_start3A_251 = arith.constant 48 : i32
    %dma_start3A_252 = arith.constant 0 : i32
    %dma_start3A_253 = tpu.memref_slice %arg5[%dma_start3A_251, %dma_start3A_252] : memref<50x128xi32, #tpu.memory_space<vmem>> -> memref<1x128xi32, #tpu.memory_space<vmem>>
    %dma_start3A_254 = tpu.memref_squeeze %dma_start3A_253 : memref<1x128xi32, #tpu.memory_space<vmem>> -> memref<128xi32, #tpu.memory_space<vmem>>
    %dma_start3A_255 = arith.constant 0 : i32
    %dma_start3A_256 = arith.constant 0 : i32
    %dma_start3A_257 = tpu.memref_slice %arg3[%dma_start3A_255, %dma_start3A_256] : memref<100001x128xf32, #tpu.memory_space<hbm>> -> memref<100001x128xf32, #tpu.memory_space<hbm>>
    tpu.enqueue_indirect_dma source(%dma_start3A_257 : memref<100001x128xf32, #tpu.memory_space<hbm>>) target(%arg6 : memref<128x128xf32, #tpu.memory_space<vmem>>) offsets(%dma_start3A_254 : memref<128xi32, #tpu.memory_space<vmem>>) semaphore(%arg12 : memref<!tpu.dma_semaphore, #tpu.memory_space<semaphore_mem>>)
    %dma_wait3A_258 = arith.constant 44 : i32
    %dma_wait3A_259 = arith.constant 0 : i32
    %dma_wait3A_260 = tpu.memref_slice %arg5[%dma_wait3A_258, %dma_wait3A_259] : memref<50x128xi32, #tpu.memory_space<vmem>> -> memref<1x128xi32, #tpu.memory_space<vmem>>
    %dma_wait3A_261 = tpu.memref_squeeze %dma_wait3A_260 : memref<1x128xi32, #tpu.memory_space<vmem>> -> memref<128xi32, #tpu.memory_space<vmem>>
    %dma_wait3A_262 = arith.constant 0 : i32
    %dma_wait3A_263 = arith.constant 0 : i32
    %dma_wait3A_264 = tpu.memref_slice %arg3[%dma_wait3A_262, %dma_wait3A_263] : memref<100001x128xf32, #tpu.memory_space<hbm>> -> memref<100001x128xf32, #tpu.memory_space<hbm>>
    tpu.wait_indirect_dma semaphore(%arg14 : memref<!tpu.dma_semaphore, #tpu.memory_space<semaphore_mem>>) src(%dma_wait3A_264 : memref<100001x128xf32, #tpu.memory_space<hbm>>) dst(%arg8 : memref<128x128xf32, #tpu.memory_space<vmem>>)
    %dma_start3A_265 = arith.constant 44 : i32
    %dma_start3A_266 = arith.constant 0 : i32
    %dma_start3A_267 = tpu.memref_slice %arg4[%dma_start3A_265, %mul3A_2, %dma_start3A_266] : memref<50x4096x128xf32, #tpu.memory_space<hbm>> -> memref<1x128x128xf32, #tpu.memory_space<hbm>>
    %dma_start3A_268 = tpu.memref_squeeze %dma_start3A_267 : memref<1x128x128xf32, #tpu.memory_space<hbm>> -> memref<128x128xf32, #tpu.memory_space<hbm>>
    %dma_start3A_269 = arith.constant 0 : i32
    %dma_start3A_270 = tpu.memref_slice %arg4[%dma_start3A_265, %mul3A_2, %dma_start3A_269] : memref<50x4096x128xf32, #tpu.memory_space<hbm>> -> memref<1x128x128xf32, #tpu.memory_space<hbm>>
    %dma_start3A_271 = tpu.memref_squeeze %dma_start3A_270 : memref<1x128x128xf32, #tpu.memory_space<hbm>> -> memref<128x128xf32, #tpu.memory_space<hbm>>
    tpu.enqueue_dma source(%arg8 : memref<128x128xf32, #tpu.memory_space<vmem>>) target(%dma_start3A_271 : memref<128x128xf32, #tpu.memory_space<hbm>>) target_semaphore(%arg20 : memref<!tpu.dma_semaphore, #tpu.memory_space<semaphore_mem>>)
    %dma_wait3A_272 = arith.constant 43 : i32
    %dma_wait3A_273 = arith.constant 0 : i32
    %dma_wait3A_274 = tpu.memref_slice %arg4[%dma_wait3A_272, %mul3A_2, %dma_wait3A_273] : memref<50x4096x128xf32, #tpu.memory_space<hbm>> -> memref<1x128x128xf32, #tpu.memory_space<hbm>>
    %dma_wait3A_275 = tpu.memref_squeeze %dma_wait3A_274 : memref<1x128x128xf32, #tpu.memory_space<hbm>> -> memref<128x128xf32, #tpu.memory_space<hbm>>
    %dma_wait3A_276 = arith.constant 0 : i32
    %dma_wait3A_277 = tpu.memref_slice %arg4[%dma_wait3A_272, %mul3A_2, %dma_wait3A_276] : memref<50x4096x128xf32, #tpu.memory_space<hbm>> -> memref<1x128x128xf32, #tpu.memory_space<hbm>>
    %dma_wait3A_278 = tpu.memref_squeeze %dma_wait3A_277 : memref<1x128x128xf32, #tpu.memory_space<hbm>> -> memref<128x128xf32, #tpu.memory_space<hbm>>
    tpu.wait_dma2 semaphore(%arg19 : memref<!tpu.dma_semaphore, #tpu.memory_space<semaphore_mem>>) src(%arg7 : memref<128x128xf32, #tpu.memory_space<vmem>>) dst(%dma_wait3A_278 : memref<128x128xf32, #tpu.memory_space<hbm>>)
    %dma_start3A_279 = arith.constant 49 : i32
    %dma_start3A_280 = arith.constant 0 : i32
    %dma_start3A_281 = tpu.memref_slice %arg5[%dma_start3A_279, %dma_start3A_280] : memref<50x128xi32, #tpu.memory_space<vmem>> -> memref<1x128xi32, #tpu.memory_space<vmem>>
    %dma_start3A_282 = tpu.memref_squeeze %dma_start3A_281 : memref<1x128xi32, #tpu.memory_space<vmem>> -> memref<128xi32, #tpu.memory_space<vmem>>
    %dma_start3A_283 = arith.constant 0 : i32
    %dma_start3A_284 = arith.constant 0 : i32
    %dma_start3A_285 = tpu.memref_slice %arg3[%dma_start3A_283, %dma_start3A_284] : memref<100001x128xf32, #tpu.memory_space<hbm>> -> memref<100001x128xf32, #tpu.memory_space<hbm>>
    tpu.enqueue_indirect_dma source(%dma_start3A_285 : memref<100001x128xf32, #tpu.memory_space<hbm>>) target(%arg7 : memref<128x128xf32, #tpu.memory_space<vmem>>) offsets(%dma_start3A_282 : memref<128xi32, #tpu.memory_space<vmem>>) semaphore(%arg13 : memref<!tpu.dma_semaphore, #tpu.memory_space<semaphore_mem>>)
    %dma_wait3A_286 = arith.constant 45 : i32
    %dma_wait3A_287 = arith.constant 0 : i32
    %dma_wait3A_288 = tpu.memref_slice %arg5[%dma_wait3A_286, %dma_wait3A_287] : memref<50x128xi32, #tpu.memory_space<vmem>> -> memref<1x128xi32, #tpu.memory_space<vmem>>
    %dma_wait3A_289 = tpu.memref_squeeze %dma_wait3A_288 : memref<1x128xi32, #tpu.memory_space<vmem>> -> memref<128xi32, #tpu.memory_space<vmem>>
    %dma_wait3A_290 = arith.constant 0 : i32
    %dma_wait3A_291 = arith.constant 0 : i32
    %dma_wait3A_292 = tpu.memref_slice %arg3[%dma_wait3A_290, %dma_wait3A_291] : memref<100001x128xf32, #tpu.memory_space<hbm>> -> memref<100001x128xf32, #tpu.memory_space<hbm>>
    tpu.wait_indirect_dma semaphore(%arg15 : memref<!tpu.dma_semaphore, #tpu.memory_space<semaphore_mem>>) src(%dma_wait3A_292 : memref<100001x128xf32, #tpu.memory_space<hbm>>) dst(%arg9 : memref<128x128xf32, #tpu.memory_space<vmem>>)
    %dma_start3A_293 = arith.constant 45 : i32
    %dma_start3A_294 = arith.constant 0 : i32
    %dma_start3A_295 = tpu.memref_slice %arg4[%dma_start3A_293, %mul3A_2, %dma_start3A_294] : memref<50x4096x128xf32, #tpu.memory_space<hbm>> -> memref<1x128x128xf32, #tpu.memory_space<hbm>>
    %dma_start3A_296 = tpu.memref_squeeze %dma_start3A_295 : memref<1x128x128xf32, #tpu.memory_space<hbm>> -> memref<128x128xf32, #tpu.memory_space<hbm>>
    %dma_start3A_297 = arith.constant 0 : i32
    %dma_start3A_298 = tpu.memref_slice %arg4[%dma_start3A_293, %mul3A_2, %dma_start3A_297] : memref<50x4096x128xf32, #tpu.memory_space<hbm>> -> memref<1x128x128xf32, #tpu.memory_space<hbm>>
    %dma_start3A_299 = tpu.memref_squeeze %dma_start3A_298 : memref<1x128x128xf32, #tpu.memory_space<hbm>> -> memref<128x128xf32, #tpu.memory_space<hbm>>
    tpu.enqueue_dma source(%arg9 : memref<128x128xf32, #tpu.memory_space<vmem>>) target(%dma_start3A_299 : memref<128x128xf32, #tpu.memory_space<hbm>>) target_semaphore(%arg21 : memref<!tpu.dma_semaphore, #tpu.memory_space<semaphore_mem>>)
    %dma_wait3A_300 = arith.constant 44 : i32
    %dma_wait3A_301 = arith.constant 0 : i32
    %dma_wait3A_302 = tpu.memref_slice %arg4[%dma_wait3A_300, %mul3A_2, %dma_wait3A_301] : memref<50x4096x128xf32, #tpu.memory_space<hbm>> -> memref<1x128x128xf32, #tpu.memory_space<hbm>>
    %dma_wait3A_303 = tpu.memref_squeeze %dma_wait3A_302 : memref<1x128x128xf32, #tpu.memory_space<hbm>> -> memref<128x128xf32, #tpu.memory_space<hbm>>
    %dma_wait3A_304 = arith.constant 0 : i32
    %dma_wait3A_305 = tpu.memref_slice %arg4[%dma_wait3A_300, %mul3A_2, %dma_wait3A_304] : memref<50x4096x128xf32, #tpu.memory_space<hbm>> -> memref<1x128x128xf32, #tpu.memory_space<hbm>>
    %dma_wait3A_306 = tpu.memref_squeeze %dma_wait3A_305 : memref<1x128x128xf32, #tpu.memory_space<hbm>> -> memref<128x128xf32, #tpu.memory_space<hbm>>
    tpu.wait_dma2 semaphore(%arg20 : memref<!tpu.dma_semaphore, #tpu.memory_space<semaphore_mem>>) src(%arg8 : memref<128x128xf32, #tpu.memory_space<vmem>>) dst(%dma_wait3A_306 : memref<128x128xf32, #tpu.memory_space<hbm>>)
    %dma_wait3A_307 = arith.constant 46 : i32
    %dma_wait3A_308 = arith.constant 0 : i32
    %dma_wait3A_309 = tpu.memref_slice %arg5[%dma_wait3A_307, %dma_wait3A_308] : memref<50x128xi32, #tpu.memory_space<vmem>> -> memref<1x128xi32, #tpu.memory_space<vmem>>
    %dma_wait3A_310 = tpu.memref_squeeze %dma_wait3A_309 : memref<1x128xi32, #tpu.memory_space<vmem>> -> memref<128xi32, #tpu.memory_space<vmem>>
    %dma_wait3A_311 = arith.constant 0 : i32
    %dma_wait3A_312 = arith.constant 0 : i32
    %dma_wait3A_313 = tpu.memref_slice %arg3[%dma_wait3A_311, %dma_wait3A_312] : memref<100001x128xf32, #tpu.memory_space<hbm>> -> memref<100001x128xf32, #tpu.memory_space<hbm>>
    tpu.wait_indirect_dma semaphore(%arg16 : memref<!tpu.dma_semaphore, #tpu.memory_space<semaphore_mem>>) src(%dma_wait3A_313 : memref<100001x128xf32, #tpu.memory_space<hbm>>) dst(%arg10 : memref<128x128xf32, #tpu.memory_space<vmem>>)
    %dma_start3A_314 = arith.constant 46 : i32
    %dma_start3A_315 = arith.constant 0 : i32
    %dma_start3A_316 = tpu.memref_slice %arg4[%dma_start3A_314, %mul3A_2, %dma_start3A_315] : memref<50x4096x128xf32, #tpu.memory_space<hbm>> -> memref<1x128x128xf32, #tpu.memory_space<hbm>>
    %dma_start3A_317 = tpu.memref_squeeze %dma_start3A_316 : memref<1x128x128xf32, #tpu.memory_space<hbm>> -> memref<128x128xf32, #tpu.memory_space<hbm>>
    %dma_start3A_318 = arith.constant 0 : i32
    %dma_start3A_319 = tpu.memref_slice %arg4[%dma_start3A_314, %mul3A_2, %dma_start3A_318] : memref<50x4096x128xf32, #tpu.memory_space<hbm>> -> memref<1x128x128xf32, #tpu.memory_space<hbm>>
    %dma_start3A_320 = tpu.memref_squeeze %dma_start3A_319 : memref<1x128x128xf32, #tpu.memory_space<hbm>> -> memref<128x128xf32, #tpu.memory_space<hbm>>
    tpu.enqueue_dma source(%arg10 : memref<128x128xf32, #tpu.memory_space<vmem>>) target(%dma_start3A_320 : memref<128x128xf32, #tpu.memory_space<hbm>>) target_semaphore(%arg22 : memref<!tpu.dma_semaphore, #tpu.memory_space<semaphore_mem>>)
    %dma_wait3A_321 = arith.constant 45 : i32
    %dma_wait3A_322 = arith.constant 0 : i32
    %dma_wait3A_323 = tpu.memref_slice %arg4[%dma_wait3A_321, %mul3A_2, %dma_wait3A_322] : memref<50x4096x128xf32, #tpu.memory_space<hbm>> -> memref<1x128x128xf32, #tpu.memory_space<hbm>>
    %dma_wait3A_324 = tpu.memref_squeeze %dma_wait3A_323 : memref<1x128x128xf32, #tpu.memory_space<hbm>> -> memref<128x128xf32, #tpu.memory_space<hbm>>
    %dma_wait3A_325 = arith.constant 0 : i32
    %dma_wait3A_326 = tpu.memref_slice %arg4[%dma_wait3A_321, %mul3A_2, %dma_wait3A_325] : memref<50x4096x128xf32, #tpu.memory_space<hbm>> -> memref<1x128x128xf32, #tpu.memory_space<hbm>>
    %dma_wait3A_327 = tpu.memref_squeeze %dma_wait3A_326 : memref<1x128x128xf32, #tpu.memory_space<hbm>> -> memref<128x128xf32, #tpu.memory_space<hbm>>
    tpu.wait_dma2 semaphore(%arg21 : memref<!tpu.dma_semaphore, #tpu.memory_space<semaphore_mem>>) src(%arg9 : memref<128x128xf32, #tpu.memory_space<vmem>>) dst(%dma_wait3A_327 : memref<128x128xf32, #tpu.memory_space<hbm>>)
    %dma_wait3A_328 = arith.constant 47 : i32
    %dma_wait3A_329 = arith.constant 0 : i32
    %dma_wait3A_330 = tpu.memref_slice %arg5[%dma_wait3A_328, %dma_wait3A_329] : memref<50x128xi32, #tpu.memory_space<vmem>> -> memref<1x128xi32, #tpu.memory_space<vmem>>
    %dma_wait3A_331 = tpu.memref_squeeze %dma_wait3A_330 : memref<1x128xi32, #tpu.memory_space<vmem>> -> memref<128xi32, #tpu.memory_space<vmem>>
    %dma_wait3A_332 = arith.constant 0 : i32
    %dma_wait3A_333 = arith.constant 0 : i32
    %dma_wait3A_334 = tpu.memref_slice %arg3[%dma_wait3A_332, %dma_wait3A_333] : memref<100001x128xf32, #tpu.memory_space<hbm>> -> memref<100001x128xf32, #tpu.memory_space<hbm>>
    tpu.wait_indirect_dma semaphore(%arg17 : memref<!tpu.dma_semaphore, #tpu.memory_space<semaphore_mem>>) src(%dma_wait3A_334 : memref<100001x128xf32, #tpu.memory_space<hbm>>) dst(%arg11 : memref<128x128xf32, #tpu.memory_space<vmem>>)
    %dma_start3A_335 = arith.constant 47 : i32
    %dma_start3A_336 = arith.constant 0 : i32
    %dma_start3A_337 = tpu.memref_slice %arg4[%dma_start3A_335, %mul3A_2, %dma_start3A_336] : memref<50x4096x128xf32, #tpu.memory_space<hbm>> -> memref<1x128x128xf32, #tpu.memory_space<hbm>>
    %dma_start3A_338 = tpu.memref_squeeze %dma_start3A_337 : memref<1x128x128xf32, #tpu.memory_space<hbm>> -> memref<128x128xf32, #tpu.memory_space<hbm>>
    %dma_start3A_339 = arith.constant 0 : i32
    %dma_start3A_340 = tpu.memref_slice %arg4[%dma_start3A_335, %mul3A_2, %dma_start3A_339] : memref<50x4096x128xf32, #tpu.memory_space<hbm>> -> memref<1x128x128xf32, #tpu.memory_space<hbm>>
    %dma_start3A_341 = tpu.memref_squeeze %dma_start3A_340 : memref<1x128x128xf32, #tpu.memory_space<hbm>> -> memref<128x128xf32, #tpu.memory_space<hbm>>
    tpu.enqueue_dma source(%arg11 : memref<128x128xf32, #tpu.memory_space<vmem>>) target(%dma_start3A_341 : memref<128x128xf32, #tpu.memory_space<hbm>>) target_semaphore(%arg23 : memref<!tpu.dma_semaphore, #tpu.memory_space<semaphore_mem>>)
    %dma_wait3A_342 = arith.constant 46 : i32
    %dma_wait3A_343 = arith.constant 0 : i32
    %dma_wait3A_344 = tpu.memref_slice %arg4[%dma_wait3A_342, %mul3A_2, %dma_wait3A_343] : memref<50x4096x128xf32, #tpu.memory_space<hbm>> -> memref<1x128x128xf32, #tpu.memory_space<hbm>>
    %dma_wait3A_345 = tpu.memref_squeeze %dma_wait3A_344 : memref<1x128x128xf32, #tpu.memory_space<hbm>> -> memref<128x128xf32, #tpu.memory_space<hbm>>
    %dma_wait3A_346 = arith.constant 0 : i32
    %dma_wait3A_347 = tpu.memref_slice %arg4[%dma_wait3A_342, %mul3A_2, %dma_wait3A_346] : memref<50x4096x128xf32, #tpu.memory_space<hbm>> -> memref<1x128x128xf32, #tpu.memory_space<hbm>>
    %dma_wait3A_348 = tpu.memref_squeeze %dma_wait3A_347 : memref<1x128x128xf32, #tpu.memory_space<hbm>> -> memref<128x128xf32, #tpu.memory_space<hbm>>
    tpu.wait_dma2 semaphore(%arg22 : memref<!tpu.dma_semaphore, #tpu.memory_space<semaphore_mem>>) src(%arg10 : memref<128x128xf32, #tpu.memory_space<vmem>>) dst(%dma_wait3A_348 : memref<128x128xf32, #tpu.memory_space<hbm>>)
    %dma_wait3A_349 = arith.constant 48 : i32
    %dma_wait3A_350 = arith.constant 0 : i32
    %dma_wait3A_351 = tpu.memref_slice %arg5[%dma_wait3A_349, %dma_wait3A_350] : memref<50x128xi32, #tpu.memory_space<vmem>> -> memref<1x128xi32, #tpu.memory_space<vmem>>
    %dma_wait3A_352 = tpu.memref_squeeze %dma_wait3A_351 : memref<1x128xi32, #tpu.memory_space<vmem>> -> memref<128xi32, #tpu.memory_space<vmem>>
    %dma_wait3A_353 = arith.constant 0 : i32
    %dma_wait3A_354 = arith.constant 0 : i32
    %dma_wait3A_355 = tpu.memref_slice %arg3[%dma_wait3A_353, %dma_wait3A_354] : memref<100001x128xf32, #tpu.memory_space<hbm>> -> memref<100001x128xf32, #tpu.memory_space<hbm>>
    tpu.wait_indirect_dma semaphore(%arg12 : memref<!tpu.dma_semaphore, #tpu.memory_space<semaphore_mem>>) src(%dma_wait3A_355 : memref<100001x128xf32, #tpu.memory_space<hbm>>) dst(%arg6 : memref<128x128xf32, #tpu.memory_space<vmem>>)
    %dma_start3A_356 = arith.constant 48 : i32
    %dma_start3A_357 = arith.constant 0 : i32
    %dma_start3A_358 = tpu.memref_slice %arg4[%dma_start3A_356, %mul3A_2, %dma_start3A_357] : memref<50x4096x128xf32, #tpu.memory_space<hbm>> -> memref<1x128x128xf32, #tpu.memory_space<hbm>>
    %dma_start3A_359 = tpu.memref_squeeze %dma_start3A_358 : memref<1x128x128xf32, #tpu.memory_space<hbm>> -> memref<128x128xf32, #tpu.memory_space<hbm>>
    %dma_start3A_360 = arith.constant 0 : i32
    %dma_start3A_361 = tpu.memref_slice %arg4[%dma_start3A_356, %mul3A_2, %dma_start3A_360] : memref<50x4096x128xf32, #tpu.memory_space<hbm>> -> memref<1x128x128xf32, #tpu.memory_space<hbm>>
    %dma_start3A_362 = tpu.memref_squeeze %dma_start3A_361 : memref<1x128x128xf32, #tpu.memory_space<hbm>> -> memref<128x128xf32, #tpu.memory_space<hbm>>
    tpu.enqueue_dma source(%arg6 : memref<128x128xf32, #tpu.memory_space<vmem>>) target(%dma_start3A_362 : memref<128x128xf32, #tpu.memory_space<hbm>>) target_semaphore(%arg18 : memref<!tpu.dma_semaphore, #tpu.memory_space<semaphore_mem>>)
    %dma_wait3A_363 = arith.constant 47 : i32
    %dma_wait3A_364 = arith.constant 0 : i32
    %dma_wait3A_365 = tpu.memref_slice %arg4[%dma_wait3A_363, %mul3A_2, %dma_wait3A_364] : memref<50x4096x128xf32, #tpu.memory_space<hbm>> -> memref<1x128x128xf32, #tpu.memory_space<hbm>>
    %dma_wait3A_366 = tpu.memref_squeeze %dma_wait3A_365 : memref<1x128x128xf32, #tpu.memory_space<hbm>> -> memref<128x128xf32, #tpu.memory_space<hbm>>
    %dma_wait3A_367 = arith.constant 0 : i32
    %dma_wait3A_368 = tpu.memref_slice %arg4[%dma_wait3A_363, %mul3A_2, %dma_wait3A_367] : memref<50x4096x128xf32, #tpu.memory_space<hbm>> -> memref<1x128x128xf32, #tpu.memory_space<hbm>>
    %dma_wait3A_369 = tpu.memref_squeeze %dma_wait3A_368 : memref<1x128x128xf32, #tpu.memory_space<hbm>> -> memref<128x128xf32, #tpu.memory_space<hbm>>
    tpu.wait_dma2 semaphore(%arg23 : memref<!tpu.dma_semaphore, #tpu.memory_space<semaphore_mem>>) src(%arg11 : memref<128x128xf32, #tpu.memory_space<vmem>>) dst(%dma_wait3A_369 : memref<128x128xf32, #tpu.memory_space<hbm>>)
    %dma_wait3A_370 = arith.constant 49 : i32
    %dma_wait3A_371 = arith.constant 0 : i32
    %dma_wait3A_372 = tpu.memref_slice %arg5[%dma_wait3A_370, %dma_wait3A_371] : memref<50x128xi32, #tpu.memory_space<vmem>> -> memref<1x128xi32, #tpu.memory_space<vmem>>
    %dma_wait3A_373 = tpu.memref_squeeze %dma_wait3A_372 : memref<1x128xi32, #tpu.memory_space<vmem>> -> memref<128xi32, #tpu.memory_space<vmem>>
    %dma_wait3A_374 = arith.constant 0 : i32
    %dma_wait3A_375 = arith.constant 0 : i32
    %dma_wait3A_376 = tpu.memref_slice %arg3[%dma_wait3A_374, %dma_wait3A_375] : memref<100001x128xf32, #tpu.memory_space<hbm>> -> memref<100001x128xf32, #tpu.memory_space<hbm>>
    tpu.wait_indirect_dma semaphore(%arg13 : memref<!tpu.dma_semaphore, #tpu.memory_space<semaphore_mem>>) src(%dma_wait3A_376 : memref<100001x128xf32, #tpu.memory_space<hbm>>) dst(%arg7 : memref<128x128xf32, #tpu.memory_space<vmem>>)
    %dma_start3A_377 = arith.constant 49 : i32
    %dma_start3A_378 = arith.constant 0 : i32
    %dma_start3A_379 = tpu.memref_slice %arg4[%dma_start3A_377, %mul3A_2, %dma_start3A_378] : memref<50x4096x128xf32, #tpu.memory_space<hbm>> -> memref<1x128x128xf32, #tpu.memory_space<hbm>>
    %dma_start3A_380 = tpu.memref_squeeze %dma_start3A_379 : memref<1x128x128xf32, #tpu.memory_space<hbm>> -> memref<128x128xf32, #tpu.memory_space<hbm>>
    %dma_start3A_381 = arith.constant 0 : i32
    %dma_start3A_382 = tpu.memref_slice %arg4[%dma_start3A_377, %mul3A_2, %dma_start3A_381] : memref<50x4096x128xf32, #tpu.memory_space<hbm>> -> memref<1x128x128xf32, #tpu.memory_space<hbm>>
    %dma_start3A_383 = tpu.memref_squeeze %dma_start3A_382 : memref<1x128x128xf32, #tpu.memory_space<hbm>> -> memref<128x128xf32, #tpu.memory_space<hbm>>
    tpu.enqueue_dma source(%arg7 : memref<128x128xf32, #tpu.memory_space<vmem>>) target(%dma_start3A_383 : memref<128x128xf32, #tpu.memory_space<hbm>>) target_semaphore(%arg19 : memref<!tpu.dma_semaphore, #tpu.memory_space<semaphore_mem>>)
    %dma_wait3A_384 = arith.constant 48 : i32
    %dma_wait3A_385 = arith.constant 0 : i32
    %dma_wait3A_386 = tpu.memref_slice %arg4[%dma_wait3A_384, %mul3A_2, %dma_wait3A_385] : memref<50x4096x128xf32, #tpu.memory_space<hbm>> -> memref<1x128x128xf32, #tpu.memory_space<hbm>>
    %dma_wait3A_387 = tpu.memref_squeeze %dma_wait3A_386 : memref<1x128x128xf32, #tpu.memory_space<hbm>> -> memref<128x128xf32, #tpu.memory_space<hbm>>
    %dma_wait3A_388 = arith.constant 0 : i32
    %dma_wait3A_389 = tpu.memref_slice %arg4[%dma_wait3A_384, %mul3A_2, %dma_wait3A_388] : memref<50x4096x128xf32, #tpu.memory_space<hbm>> -> memref<1x128x128xf32, #tpu.memory_space<hbm>>
    %dma_wait3A_390 = tpu.memref_squeeze %dma_wait3A_389 : memref<1x128x128xf32, #tpu.memory_space<hbm>> -> memref<128x128xf32, #tpu.memory_space<hbm>>
    tpu.wait_dma2 semaphore(%arg18 : memref<!tpu.dma_semaphore, #tpu.memory_space<semaphore_mem>>) src(%arg6 : memref<128x128xf32, #tpu.memory_space<vmem>>) dst(%dma_wait3A_390 : memref<128x128xf32, #tpu.memory_space<hbm>>)
    %dma_wait3A_391 = arith.constant 49 : i32
    %dma_wait3A_392 = arith.constant 0 : i32
    %dma_wait3A_393 = tpu.memref_slice %arg4[%dma_wait3A_391, %mul3A_2, %dma_wait3A_392] : memref<50x4096x128xf32, #tpu.memory_space<hbm>> -> memref<1x128x128xf32, #tpu.memory_space<hbm>>
    %dma_wait3A_394 = tpu.memref_squeeze %dma_wait3A_393 : memref<1x128x128xf32, #tpu.memory_space<hbm>> -> memref<128x128xf32, #tpu.memory_space<hbm>>
    %dma_wait3A_395 = arith.constant 0 : i32
    %dma_wait3A_396 = tpu.memref_slice %arg4[%dma_wait3A_391, %mul3A_2, %dma_wait3A_395] : memref<50x4096x128xf32, #tpu.memory_space<hbm>> -> memref<1x128x128xf32, #tpu.memory_space<hbm>>
    %dma_wait3A_397 = tpu.memref_squeeze %dma_wait3A_396 : memref<1x128x128xf32, #tpu.memory_space<hbm>> -> memref<128x128xf32, #tpu.memory_space<hbm>>
    tpu.wait_dma2 semaphore(%arg19 : memref<!tpu.dma_semaphore, #tpu.memory_space<semaphore_mem>>) src(%arg7 : memref<128x128xf32, #tpu.memory_space<vmem>>) dst(%dma_wait3A_397 : memref<128x128xf32, #tpu.memory_space<hbm>>)
    return
  }
}

</mosaic_0001>

<sc_bundles>
// kernel: kernel.3.cloned.1.call-start
scs
__scs_entry_jumppad:
0x0: {  	(pc) =	sbr.rel $0x88, $3  }
0x1: {  	(tag) =	ssettag $0x0;
	lr =	simm.s32 $0x1  }
0x2: {  	[smem:$0x3F9F] =	sst lr;
	_ =	strace $0xD0000000  }
0x3: {  	_ = 	snop  }
0x4: {  	_ = 	snop  }
0x5: {  	_ = 	snop  }
0x6: {  	_ = 	snop  }
0x7: {  	_ = 	snop  }
__scs_overlays_trampoline_lowered:
0x8: {  	[smem:$0x3FAE] =	sst s0  }
0x9: {  	[smem:$0x3FAF] =	sst s1  }
0xa: {  	[smem:$0x3FB0] =	sst s2  }
0xb: {  	[smem:$0x3FB1] =	sst s3  }
0xc: {  	[smem:$0x3FB2] =	sst s4  }
0xd: {  	[smem:$0x3FB3] =	sst s5  }
0xe: {  	[smem:$0x3FB4] =	sst s6  }
0xf: {  	[smem:$0x3FB5] =	sst s7  }
0x10: {  	[smem:$0x3FB6] =	sst s8  }
0x11: {  	[smem:$0x3FB7] =	sst s9;
	s0 =	simm.s32 @!p0 $0x0  }
0x12: {  	s1 =	sld [smem:$0x3F9D];
	s0 =	simm.s32 @p0 $0x1  }
0x13: {  	[smem:$0x3FB8] =	sst s0;
	s0 =	simm.s32 @!p1 $0x0  }
0x14: {  	s2 =	sld [smem:$0x3F9C];
	s0 =	simm.s32 @p1 $0x1  }
0x15: {  	[smem:$0x3FB9] =	sst s0;
	s0 =	simm.s32 @!p2 $0x0  }
0x16: {  	s3 =	sld [smem:$0x3FDB];
	s0 =	simm.s32 @p2 $0x1  }
0x17: {  	s4 =	simm.s32 $0x1BF5;
	[smem:$0x3FBB] =	sst s0  }
0x18: {  	s0 =	sld [smem:$0x3F9E];
	_ =	swait.ge [sflag:s4], $0x0  }
0x19: {  	s7 =	sld [smem:$0x3F9F]  }
0x1a: {  	s8 =	sadd.s32 $0xFFFFE003, lr  }
0x1b: {  	s9 =	sadd.s32 $0xFFFFFEF7, lr;
	s5 =	simm.s32 $0xFFFFFFFF;
	p2 =	slt.u32 s8, $0xFFFFF086  }
0x1c: {  	p1 =	slt.u32 s9, $0xF7A;
	s5 =	simm.s32 @!p2 $0x0  }
0x1d: {  	s5 =	simm.s32 @p1 $0x1;
	p0 =	seq.s32 s7, s2  }
0x1e: {  	s7 =	smul.u32 @!p0 $0xF7A, s2;
	p2 =	seq.s32 @!p0 s5, $0x0  }
0x1f: {  	s9 =	smul.u32 $0xF7A, s1;
	s8 =	simm.s32 @!p0 $0x1BF5;
	p2 =	por !p2, p0  }
0x20: {  	[sflag:s8] =	ssyncset.s32 @!p0 $0xFFFFF086;
	s6 =	sadd.s32 @!p0 s3, s7;
	s7 =	simm.s32 @!p0 $0x108  }
0x21: {  	s3 =	sadd.s32 s3, s9;
	s6 =	sadd.s32 @!p0 $0x88, s6;
	s7 =	simm.s32 @p2 $0x1082  }
0x22: {  	[simem:s7], [sflag:s8] =	dma.local @!p0 [hbm:s6], $0xF7A  }
0x23: {  	s9 =	sor.u32 $0xD0000000, s2;
	s6 =	simm.s32 $0x108;
	_ =	swait.ge @!p0 [sflag:s8], $0x0  }
0x24: {  	s3 =	sadd.s32 $0x88, s3;
	s6 =	simm.s32 @!p1 $0x1082;
	[sflag:s4] =	ssyncset.s32 $0xFFFFF086  }
0x25: {  	[simem:s6], [sflag:s4] =	dma.local [hbm:s3], $0xF7A  }
0x26: {  	[smem:$0x3F9F] =	sst s1;
	(tag) =	ssettag s2;
	_ =	strace s9  }
0x27: {  	s1 =	sld [smem:$0x3FAF]  }
0x28: {  	s2 =	sld [smem:$0x3FB0]  }
0x29: {  	s4 =	sld [smem:$0x3FB2]  }
0x2a: {  	p0 =	seq.s32 s5, $0x0;
	s5 =	sld [smem:$0x3FB3]  }
0x2b: {  	s6 =	sld [smem:$0x3FB4]  }
0x2c: {  	s7 =	sld [smem:$0x3FB5]  }
0x2d: {  	s3 =	simm.s32 $0x108;
	s8 =	sld [smem:$0x3FB6]  }
0x2e: {  	s3 =	simm.s32 @!p0 $0x1082;
	s9 =	sld [smem:$0x3FB7]  }
0x2f: {  	lr =	sadd.s32 s0, s3;
	s0 =	sld [smem:$0x3FAE]  }
0x30: {  	s3 =	sld [smem:$0x3FB1]  }
0x31: {  	[smem:$0x3FBA] =	sst s10  }
0x32: {  	s10 =	sld [smem:$0x3FB8];
	_ =	sdelay $0x3  }
0x33: {  	p0 =	seq.s32 s10, $0x1;
	s10 =	sld [smem:$0x3FBA];
	_ =	sdelay $0x3  }
0x34: {  	[smem:$0x3FBA] =	sst s10  }
0x35: {  	s10 =	sld [smem:$0x3FB9];
	_ =	sdelay $0x3  }
0x36: {  	p1 =	seq.s32 s10, $0x1;
	s10 =	sld [smem:$0x3FBA];
	_ =	sdelay $0x3  }
0x37: {  	[smem:$0x3FBA] =	sst s10  }
0x38: {  	s10 =	sld [smem:$0x3FBB]  }
0x39: {  	_ = 	snop;
	(pc) =	sbr.ind lr, $3  }
0x3a: {  	_ = 	snop  }
0x3b: {  	_ = 	snop  }
0x3c: {  	p2 =	seq.s32 s10, $0x1;
	s10 =	sld [smem:$0x3FBA]  }
0x3d: {  	_ =	shalt  }
0x3e: {  	_ =	shalt  }
0x3f: {  	_ =	shalt  }
0x40: {  	_ =	shalt  }
0x41: {  	_ =	shalt  }
0x42: {  	_ =	shalt  }
0x43: {  	_ =	shalt  }
0x44: {  	_ =	shalt  }
0x45: {  	_ =	shalt  }
0x46: {  	_ =	shalt  }
0x47: {  	_ =	shalt  }
0x48: {  	_ =	shalt  }
0x49: {  	_ =	shalt  }
0x4a: {  	_ =	shalt  }
0x4b: {  	_ =	shalt  }
0x4c: {  	_ =	shalt  }
0x4d: {  	_ =	shalt  }
0x4e: {  	_ =	shalt  }
0x4f: {  	_ =	shalt  }
0x50: {  	_ =	shalt  }
0x51: {  	_ =	shalt  }
0x52: {  	_ =	shalt  }
0x53: {  	_ =	shalt  }
0x54: {  	_ =	shalt  }
0x55: {  	_ =	shalt  }
0x56: {  	_ =	shalt  }
0x57: {  	_ =	shalt  }
0x58: {  	_ =	shalt  }
0x59: {  	_ =	shalt  }
0x5a: {  	_ =	shalt  }
0x5b: {  	_ =	shalt  }
0x5c: {  	_ =	shalt  }
0x5d: {  	_ =	shalt  }
0x5e: {  	_ =	shalt  }
0x5f: {  	_ =	shalt  }
0x60: {  	_ =	shalt  }
0x61: {  	_ =	shalt  }
0x62: {  	_ =	shalt  }
0x63: {  	_ =	shalt  }
0x64: {  	_ =	shalt  }
0x65: {  	_ =	shalt  }
0x66: {  	_ =	shalt  }
0x67: {  	_ =	shalt  }
0x68: {  	_ =	shalt  }
0x69: {  	_ =	shalt  }
0x6a: {  	_ =	shalt  }
0x6b: {  	_ =	shalt  }
0x6c: {  	_ =	shalt  }
0x6d: {  	_ =	shalt  }
0x6e: {  	_ =	shalt  }
0x6f: {  	_ =	shalt  }
0x70: {  	_ =	shalt  }
0x71: {  	_ =	shalt  }
0x72: {  	_ =	shalt  }
0x73: {  	_ =	shalt  }
0x74: {  	_ =	shalt  }
0x75: {  	_ =	shalt  }
0x76: {  	_ =	shalt  }
0x77: {  	_ =	shalt  }
0x78: {  	_ =	shalt  }
0x79: {  	_ =	shalt  }
0x7a: {  	_ =	shalt  }
0x7b: {  	_ =	shalt  }
0x7c: {  	_ =	shalt  }
0x7d: {  	_ =	shalt  }
0x7e: {  	_ =	shalt  }
0x7f: {  	_ =	shalt  }
0x80: {  	_ =	shalt  }
0x81: {  	_ =	shalt  }
0x82: {  	_ =	shalt  }
0x83: {  	_ =	shalt  }
0x84: {  	_ =	shalt  }
0x85: {  	_ =	shalt  }
0x86: {  	_ =	shalt  }
0x87: {  	_ =	shalt  }
.Lfunc_end0:
.L_simem_size_0:
called_computation_lowered:
.L_overlay_start_0:
0x88: {  	s2 =	sld [smem:$0x3FD9]  }
0x89: {  	s3 =	sld [smem:$0x3FFE];
	_ =	sdelay $0x1  }
0x8a: {  	s1 =	srdreg.scid  }
0x8b: {  	s0 =	sand.u32 $0x1, s1  }
0x8c: {  	s18 =	sshll.u32 s0, $0xA;
	s2 =	sadd.s32 s3, s2  }
0x8d: {  	s2 =	sadd.s32 s2, s18  }
0x8e: {  	[smem:$0x3FC6] =	sst s2  }
0x8f: {  	_ = 	snop  }
0x90: {  	s2 =	sld [smem:$0x3FC9]  }
0x91: {  	s19 =	sld [smem:$0x3FC8]  }
0x92: {  	s4 =	sld [smem:$0x3FD0];
	(tm) =	ssettm $0x1  }
0x93: {  	s5 =	sld [smem:$0x3FFB];
	_ =	sdelay $0x3  }
0x94: {  	_ =	strace s5  }
0x95: {  	s5 =	sld [smem:$0x3FFC];
	_ =	sdelay $0x3  }
0x96: {  	_ =	strace s5  }
0x97: {  	s5 =	sld [smem:$0x3FFD];
	_ =	sdelay $0x3  }
0x98: {  	_ =	strace s5  }
0x99: {  	_ =	strace $0x8FFFFFFF  }
0x9a: {  	s20 =	sld [smem:$0x3FDB];
	_ =	sdelay $0x1  }
0x9b: {  	s6 =	simm.s32 $_scs_section_size  }
0x9c: {  	s7 =	simm.s32 $_size__tile_overlayer_lowered;
	s8 =	simm.s32 $_tile_overlayer_lowered  }
0x9d: {  	s23 =	simm.s32 $0x1BFF;
	s22 =	sshll.u32 s8, $0x1;
	s5 =	sadd.s32 s6, s20  }
0x9e: {  	s9 =	simm.s32 $0x0;
	s21 =	sshll.u32 s7, $0x1;
	s7 =	sadd.s32 s22, s5  }
0x9f: {  	[timem:s9], [sflag:s23] =	dma.local [hbm:s7], s21  }
0xa0: {  	_ =	swait.ge [sflag:s23], s21  }
0xa1: {  	s6 =	ssub.s32 $0x0, s21;
	[sflag:s23] =	ssyncset.done $0x0  }
0xa2: {  	[sflag:s23] =	ssyncadd.s32 s6;
	_ =	sdelay $0x1  }
0xa3: {  	s24 =	simm.s32 $0x1B8B  }
0xa4: {  	_ =	swait.ge [sflag:s24], $0x1  }
0xa5: {  	[sflag:s24] =	ssyncset.done $0x0  }
0xa6: {  	s25 =	simm.s32 $0x1B8E;
	[sflag:s24] =	ssyncadd.s32 $0xFFFFFFFF  }
0xa7: {  	s26 =	simm.s32 $execute0_lowered;
	[smem:$0x3FD2] =	sst s25  }
0xa8: {  	s6 =	sshll.u32 s26, $0x1;
	_ =	strace $0x80000046;
	[dreg:$0x1] =	wrdreg $0xFFFFFFFF  }
0xa9: {  	s28 =	simm.s32 $_size_execute0_lowered;
	s5 =	sadd.s32 s5, s6;
	[dreg:$0x0] =	wrdreg $0x0  }
0xaa: {  	s6 =	sshll.u32 s28, $0x1;
	[dreg:$0x2] =	wrdreg s5  }
0xab: {  	[dreg:$0x3] =	wrdreg s6  }
0xac: {  	[dreg:$0x4] =	wrdreg $0xC0  }
0xad: {  	_ =	task [dreg:s9], $0x5FFFF  }
0xae: {  	[dreg:$0x1] =	wrdreg $0xFFFFFFFF  }
0xaf: {  	[dreg:$0x0] =	wrdreg $0x60  }
0xb0: {  	[dreg:$0x2] =	wrdreg s2  }
0xb1: {  	[dreg:$0x3] =	wrdreg s19  }
0xb2: {  	[dreg:$0x4] =	wrdreg s4  }
0xb3: {  	[dreg:$0x5] =	wrdreg $0x9  }
0xb4: {  	_ =	task.clear_ibuf [dreg:s9], $0x6FFFF;
	_ =	strace $0x90000046  }
0xb5: {  	s29 =	simm.s32 $0x9;
	_ =	strace $0x80000048  }
0xb6: {  	_ =	swait.ge [sflag:s29], $0x1  }
0xb7: {  	[sflag:s29] =	ssyncadd.s32 $0xFFFFFFFF  }
0xb8: {  	_ =	strace $0x90000048  }
0xb9: {  	_ =	sfence  }
0xba: {  	s30 =	sld [smem:$0x0];
	_ =	sdelay $0x2  }
0xbb: {  	s31 =	sshll.u32 s1, $0xD;
	s1 =	sshrl.u32 s1, $0x2  }
0xbc: {  	s3 =	sand.u32 $0x4000, s31;
	s1 =	sadd.s32 s1, s30  }
0xbd: {  	s0 =	sor.u32 s3, s0;
	s1 =	sshll.u32 s1, $0x11  }
0xbe: {  	s0 =	sor.u32 s1, s0  }
0xbf: {  	s0 =	sadd.s32 $0x8F2B, s0  }
0xc0: {  	[sflag:s0] =	ssyncadd.remote.s32 $0x1  }
0xc1: {  	_ =	sfence.sel $0xFFFF  }
0xc2: {  	[dreg:$0x0] =	wrdreg $0xFFFFFFFF;
	(pc) =	sbr.abs _section_cstart, $3  }
0xc3: {  	[dreg:$0x1] =	wrdreg $0xFFFFFFFF  }
0xc4: {  	_ =	task.clear_ibuf [dreg:s9], $0x2FFFF;
	_ =	strace $0x9FFFFFFF  }
0xc5: {  	(tm) =	ssettm $0x7FFFFFFF  }
tec
execute0_lowered:
.L_overlay_start_1:
0x0: {  	(tag) =	ssettag $0x1  }
0x1: {  	s0 =	rddreg [dreg:$0x0]  }
0x2: {  	s1 =	rddreg [dreg:$0x1]  }
0x3: {  	s2 =	rddreg [dreg:$0x2];
	s3 =	srdreg.scid  }
0x4: {  	s4 =	simm.s32 $0x0;
	s9 =	stileid.u32;
	s3 =	sand.u32 $0x1, s3  }
0x5: {  	[smem:$0x7FF] =	sst s4;
	s7 =	sshll.u32 s9, $0x8;
	s8 =	sshll.u32 s3, $0x7  }
0x6: {  	s30 =	sadd.s32 $0x10000, s2;
	s5 =	ssub.s32 $0x2, s3;
	s24 =	sor.u32 s8, s7  }
0x7: {  	_ =	strace $0x80000047;
	s6 =	sshrl.u32 s5, $0x1;
	s7 =	sadd.s32 s0, s24  }
0x8: {  	s25 =	sshll.u32 s24, $0x4;
	[dreg:$0x4] =	wrdreg s7;
	s26 =	sadd.s32 $0x6000, s7  }
0x9: {  	s5 =	ssub.s32 s5, s6;
	s0 =	sadd.s32 s25, s30;
	[dreg:$0x5] =	wrdreg s26  }
0xa: {  	s6 =	smov.u32 s2;
	s5 =	smax.u32 s5, $0x1;
	[dreg:$0x7] =	wrdreg s0  }
0xb: {  	s2 =	sadd.s32 s6, s25;
	[dreg:$0x12] =	wrdreg s5  }
0xc: {  	s28 =	sadd.s32 $0x20000, s2;
	[dreg:$0x6] =	wrdreg s2  }
0xd: {  	s7 =	sadd.s32 $0x30000, s2;
	[dreg:$0x8] =	wrdreg s28  }
0xe: {  	s8 =	sadd.s32 $0x40000, s2;
	[dreg:$0x9] =	wrdreg s7  }
0xf: {  	s29 =	simm.s32 $0x6;
	s10 =	sadd.s32 $0x50000, s2;
	[dreg:$0xa] =	wrdreg s8  }
0x10: {  	s31 =	simm.s32 $0xB;
	s12 =	sadd.s32 $0x2A0000, s2;
	[dreg:$0xb] =	wrdreg s10  }
0x11: {  	s11 =	sshll.u32 s9, $0xF;
	s13 =	sadd.s32 $0x2B0000, s2;
	[dreg:$0xc] =	wrdreg s12  }
0x12: {  	s3 =	sshll.u32 s3, $0xE;
	s14 =	sadd.s32 $0x2C0000, s2;
	[dreg:$0xd] =	wrdreg s13  }
0x13: {  	s0 =	sor.u32 s3, s11;
	s15 =	sadd.s32 $0x2D0000, s2;
	[dreg:$0xe] =	wrdreg s14  }
0x14: {  	s17 =	sadd.s32 $0x2E0000, s2;
	s18 =	sadd.s32 $0x2F0000, s2;
	[dreg:$0xf] =	wrdreg s15  }
0x15: {  	s26 =	sadd.s32 $0x300000, s2;
	s11 =	simm.s32 $0x11C00;
	[dreg:$0x10] =	wrdreg s17  }
0x16: {  	s5 =	simm.s32 $0x2;
	s16 =	sor.u32 $0x480000, s0;
	[dreg:$0x11] =	wrdreg s18  }
0x17: {  	s19 =	sor.u32 $0x400000, s0;
	s20 =	sor.u32 $0x580000, s0;
	s21 =	sor.u32 $0x500000, s0  }
0x18: {  	s0 =	sor.u32 $0x300000, s0;
	[dreg:$0x18] =	wrdreg s26;
	s28 =	sadd.s32 $0x310000, s2  }
0x19: {  	s8 =	simm.s32 $0x1800;
	s12 =	simm.s32 $0x1;
	s13 =	simm.s32 $0x15C00  }
0x1a: {  	s14 =	simm.s32 $0x7;
	s15 =	simm.s32 $0x3;
	s17 =	simm.s32 $0x4  }
0x1b: {  	s18 =	simm.s32 $0x9;
	s26 =	simm.s32 $0xC;
	s2 =	simm.s32 $0x0  }
0x1c: {  	s3 =	sshrl.u32 s16, $0x3;
	s22 =	sshrl.u32 s20, $0x3;
	[dreg:$0x15] =	wrdreg s0  }
0x1d: {  	s23 =	sshrl.u32 s21, $0x3;
	[dreg:$0x19] =	wrdreg s28;
	s3 =	sadd.s32 s3, s6  }
0x1e: {  	s16 =	simm.s32 $0x8;
	s24 =	sadd.s32 s22, s6;
	[dreg:$0x13] =	wrdreg s3  }
0x1f: {  	s25 =	sadd.s32 s23, s6;
	s3 =	sshrl.u32 s19, $0x3;
	[dreg:$0x16] =	wrdreg s24  }
0x20: {  	s20 =	simm.s32 $0xA;
	[dreg:$0x17] =	wrdreg s25;
	s3 =	sadd.s32 s3, s6  }
0x21: {  	s19 =	simm.s32 $0x5;
	[dreg:$0x14] =	wrdreg s3;
	s3 =	simm.s32 $0x80  }
.LBB2_1:
0x22: {  	[dreg:$0x1a] =	wrdreg s2  }
0x23: {  	s0 =	rddreg [dreg:$0x4];
	s2 =	simm.s32 $0x400;
	s7 =	simm.s32 $0x8000  }
0x24: {  	[tilespmem:s4], [sflag:$0xD] =	stream.strided.gather [hbm4b:s0+s2], $0x1800, s7, s2, $0x38;
	[tilespmem:$0x19C00] =	vst v63  }
0x25: {  	s21 =	rddreg [dreg:$0x5];
	s22 =	simm.s32 $0xD  }
0x26: {  	[tilespmem:s8], [sflag:$0xD] =	stream.linear.gather [hbm4b:s21+s4], $0x100, $0x38;
	[tilespmem:$0x19C00] =	vst v63  }
0x27: {  	_ =	swait.ge [sflag:s22], $0x1900  }
0x28: {  	[sflag:s22] =	ssyncset.done $0x0  }
0x29: {  	s7 =	simm.s32 $0x1C00;
	[sflag:s22] =	ssyncadd.s32 $0xFFFFE700  }
0x2a: {  	[tilespmem:s7], [sflag:$0x1] =	stream.indirect.gather [hbm4b:s1+s3], $0x80, s4, s3, $0xb8;
	[tilespmem:$0x19C00] =	vst v63  }
0x2b: {  	s9 =	simm.s32 $0x5C00  }
0x2c: {  	[tilespmem:s9], [sflag:$0x2] =	stream.indirect.gather [hbm4b:s1+s3], $0x80, s3, s3, $0xb8;
	[tilespmem:$0x19C00] =	vst v63  }
0x2d: {  	s23 =	simm.s32 $0x100;
	s22 =	simm.s32 $0x9C00  }
0x2e: {  	[tilespmem:s22], [sflag:$0x3] =	stream.indirect.gather [hbm4b:s1+s3], $0x80, s23, s3, $0xb8;
	[tilespmem:$0x19C00] =	vst v63  }
0x2f: {  	s24 =	simm.s32 $0x180;
	s10 =	simm.s32 $0xDC00  }
0x30: {  	[tilespmem:s10], [sflag:$0x4] =	stream.indirect.gather [hbm4b:s1+s3], $0x80, s24, s3, $0xb8;
	[tilespmem:$0x19C00] =	vst v63  }
0x31: {  	s25 =	simm.s32 $0x200  }
0x32: {  	[tilespmem:s11], [sflag:$0x5] =	stream.indirect.gather [hbm4b:s1+s3], $0x80, s25, s3, $0xb8;
	[tilespmem:$0x19C00] =	vst v63  }
0x33: {  	_ =	swait.ge [sflag:s12], $0x4000  }
0x34: {  	[sflag:s12] =	ssyncset.done $0x0  }
0x35: {  	s28 =	rddreg [dreg:$0x6];
	[sflag:s12] =	ssyncadd.s32 $0xFFFFC000  }
0x36: {  	[hbm4b:s28+s4] =	stream.linear.scatter [tilespmem:s7], [sflag:$0x7], $0x4000, $0x38;
	[tilespmem:$0x19C00] =	vst v63  }
0x37: {  	s8 =	simm.s32 $0x280  }
0x38: {  	[tilespmem:s13], [sflag:$0x6] =	stream.indirect.gather [hbm4b:s1+s3], $0x80, s8, s3, $0xb8;
	[tilespmem:$0x19C00] =	vst v63  }
0x39: {  	_ =	swait.ge [sflag:s5], $0x4000  }
0x3a: {  	[sflag:s5] =	ssyncset.done $0x0  }
0x3b: {  	s21 =	rddreg [dreg:$0x7];
	[sflag:s5] =	ssyncadd.s32 $0xFFFFC000  }
0x3c: {  	[hbm4b:s21+s4] =	stream.linear.scatter [tilespmem:s9], [sflag:$0x8], $0x4000, $0x38;
	[tilespmem:$0x19C00] =	vst v63  }
0x3d: {  	_ =	swait.ge [sflag:s14], $0x4000  }
0x3e: {  	[sflag:s14] =	ssyncset.done $0x0  }
0x3f: {  	s23 =	simm.s32 $0x300;
	[sflag:s14] =	ssyncadd.s32 $0xFFFFC000  }
0x40: {  	[tilespmem:s7], [sflag:$0x1] =	stream.indirect.gather [hbm4b:s1+s3], $0x80, s23, s3, $0xb8;
	[tilespmem:$0x19C00] =	vst v63  }
0x41: {  	_ =	swait.ge [sflag:s15], $0x4000  }
0x42: {  	[sflag:s15] =	ssyncset.done $0x0  }
0x43: {  	s24 =	rddreg [dreg:$0x8];
	[sflag:s15] =	ssyncadd.s32 $0xFFFFC000  }
0x44: {  	[hbm4b:s24+s4] =	stream.linear.scatter [tilespmem:s22], [sflag:$0x9], $0x4000, $0x38;
	[tilespmem:$0x19C00] =	vst v63  }
0x45: {  	_ =	swait.ge [sflag:s16], $0x4000  }
0x46: {  	[sflag:s16] =	ssyncset.done $0x0  }
0x47: {  	s25 =	simm.s32 $0x380;
	[sflag:s16] =	ssyncadd.s32 $0xFFFFC000  }
0x48: {  	[tilespmem:s9], [sflag:$0x2] =	stream.indirect.gather [hbm4b:s1+s3], $0x80, s25, s3, $0xb8;
	[tilespmem:$0x19C00] =	vst v63  }
0x49: {  	_ =	swait.ge [sflag:s17], $0x4000  }
0x4a: {  	[sflag:s17] =	ssyncset.done $0x0  }
0x4b: {  	s28 =	rddreg [dreg:$0x9];
	[sflag:s17] =	ssyncadd.s32 $0xFFFFC000  }
0x4c: {  	[hbm4b:s28+s4] =	stream.linear.scatter [tilespmem:s10], [sflag:$0xA], $0x4000, $0x38;
	[tilespmem:$0x19C00] =	vst v63  }
0x4d: {  	_ =	swait.ge [sflag:s18], $0x4000  }
0x4e: {  	[sflag:s18] =	ssyncset.done $0x0  }
0x4f: {  	[sflag:s18] =	ssyncadd.s32 $0xFFFFC000  }
0x50: {  	[tilespmem:s22], [sflag:$0x3] =	stream.indirect.gather [hbm4b:s1+s3], $0x80, s2, s3, $0xb8;
	[tilespmem:$0x19C00] =	vst v63  }
0x51: {  	_ =	swait.ge [sflag:s19], $0x4000  }
0x52: {  	[sflag:s19] =	ssyncset.done $0x0  }
0x53: {  	s2 =	rddreg [dreg:$0xa];
	[sflag:s19] =	ssyncadd.s32 $0xFFFFC000  }
0x54: {  	[hbm4b:s2+s4] =	stream.linear.scatter [tilespmem:s11], [sflag:$0xB], $0x4000, $0x38;
	[tilespmem:$0x19C00] =	vst v63  }
0x55: {  	_ =	swait.ge [sflag:s20], $0x4000  }
0x56: {  	[sflag:s20] =	ssyncset.done $0x0  }
0x57: {  	s8 =	simm.s32 $0x480;
	[sflag:s20] =	ssyncadd.s32 $0xFFFFC000  }
0x58: {  	[tilespmem:s10], [sflag:$0x4] =	stream.indirect.gather [hbm4b:s1+s3], $0x80, s8, s3, $0xb8;
	[tilespmem:$0x19C00] =	vst v63  }
0x59: {  	_ =	swait.ge [sflag:s29], $0x4000  }
0x5a: {  	[sflag:s29] =	ssyncset.done $0x0  }
0x5b: {  	s21 =	rddreg [dreg:$0xb];
	[sflag:s29] =	ssyncadd.s32 $0xFFFFC000  }
0x5c: {  	[hbm4b:s21+s4] =	stream.linear.scatter [tilespmem:s13], [sflag:$0xC], $0x4000, $0x38;
	[tilespmem:$0x19C00] =	vst v63  }
0x5d: {  	_ =	swait.ge [sflag:s31], $0x4000  }
0x5e: {  	[sflag:s31] =	ssyncset.done $0x0  }
0x5f: {  	s23 =	simm.s32 $0x500;
	[sflag:s31] =	ssyncadd.s32 $0xFFFFC000  }
0x60: {  	[tilespmem:s11], [sflag:$0x5] =	stream.indirect.gather [hbm4b:s1+s3], $0x80, s23, s3, $0xb8;
	[tilespmem:$0x19C00] =	vst v63  }
0x61: {  	_ =	swait.ge [sflag:s12], $0x4000  }
0x62: {  	s21 =	rddreg [dreg:$0x15]  }
0x63: {  	[sflag:s12] =	ssyncset.done $0x0;
	s24 =	sshrl.u32 s21, $0x3  }
0x64: {  	[sflag:s12] =	ssyncadd.s32 $0xFFFFC000;
	s25 =	sadd.s32 s6, s24  }
0x65: {  	[hbm4b:s25+s4] =	stream.linear.scatter [tilespmem:s7], [sflag:$0x7], $0x4000, $0x38;
	[tilespmem:$0x19C00] =	vst v63  }
0x66: {  	_ =	swait.ge [sflag:s26], $0x4000  }
0x67: {  	[sflag:s26] =	ssyncset.done $0x0  }
0x68: {  	s28 =	simm.s32 $0x580;
	[sflag:s26] =	ssyncadd.s32 $0xFFFFC000  }
0x69: {  	[tilespmem:s13], [sflag:$0x6] =	stream.indirect.gather [hbm4b:s1+s3], $0x80, s28, s3, $0xb8;
	[tilespmem:$0x19C00] =	vst v63  }
0x6a: {  	_ =	swait.ge [sflag:s5], $0x4000  }
0x6b: {  	[sflag:s5] =	ssyncset.done $0x0  }
0x6c: {  	s0 =	sadd.s32 s24, s30;
	[sflag:s5] =	ssyncadd.s32 $0xFFFFC000  }
0x6d: {  	[hbm4b:s0+s4] =	stream.linear.scatter [tilespmem:s9], [sflag:$0x8], $0x4000, $0x38;
	[tilespmem:$0x19C00] =	vst v63  }
0x6e: {  	_ =	swait.ge [sflag:s14], $0x4000  }
0x6f: {  	[sflag:s14] =	ssyncset.done $0x0  }
0x70: {  	s2 =	simm.s32 $0x600;
	[sflag:s14] =	ssyncadd.s32 $0xFFFFC000  }
0x71: {  	[tilespmem:s7], [sflag:$0x1] =	stream.indirect.gather [hbm4b:s1+s3], $0x80, s2, s3, $0xb8;
	[tilespmem:$0x19C00] =	vst v63  }
0x72: {  	_ =	swait.ge [sflag:s15], $0x4000  }
0x73: {  	[sflag:s15] =	ssyncset.done $0x0  }
0x74: {  	s7 =	rddreg [dreg:$0x14];
	[sflag:s15] =	ssyncadd.s32 $0xFFFFC000  }
0x75: {  	[hbm4b:s7+s4] =	stream.linear.scatter [tilespmem:s22], [sflag:$0x9], $0x4000, $0x38;
	[tilespmem:$0x19C00] =	vst v63  }
0x76: {  	_ =	swait.ge [sflag:s16], $0x4000  }
0x77: {  	[sflag:s16] =	ssyncset.done $0x0  }
0x78: {  	s8 =	simm.s32 $0x680;
	[sflag:s16] =	ssyncadd.s32 $0xFFFFC000  }
0x79: {  	[tilespmem:s9], [sflag:$0x2] =	stream.indirect.gather [hbm4b:s1+s3], $0x80, s8, s3, $0xb8;
	[tilespmem:$0x19C00] =	vst v63  }
0x7a: {  	_ =	swait.ge [sflag:s17], $0x4000  }
0x7b: {  	[sflag:s17] =	ssyncset.done $0x0  }
0x7c: {  	s23 =	rddreg [dreg:$0x13];
	[sflag:s17] =	ssyncadd.s32 $0xFFFFC000  }
0x7d: {  	[hbm4b:s23+s4] =	stream.linear.scatter [tilespmem:s10], [sflag:$0xA], $0x4000, $0x38;
	[tilespmem:$0x19C00] =	vst v63  }
0x7e: {  	_ =	swait.ge [sflag:s18], $0x4000  }
0x7f: {  	[sflag:s18] =	ssyncset.done $0x0  }
0x80: {  	s24 =	simm.s32 $0x700;
	[sflag:s18] =	ssyncadd.s32 $0xFFFFC000  }
0x81: {  	[tilespmem:s22], [sflag:$0x3] =	stream.indirect.gather [hbm4b:s1+s3], $0x80, s24, s3, $0xb8;
	[tilespmem:$0x19C00] =	vst v63  }
0x82: {  	_ =	swait.ge [sflag:s19], $0x4000  }
0x83: {  	[sflag:s19] =	ssyncset.done $0x0  }
0x84: {  	s25 =	rddreg [dreg:$0x17];
	[sflag:s19] =	ssyncadd.s32 $0xFFFFC000  }
0x85: {  	[hbm4b:s25+s4] =	stream.linear.scatter [tilespmem:s11], [sflag:$0xB], $0x4000, $0x38;
	[tilespmem:$0x19C00] =	vst v63  }
0x86: {  	_ =	swait.ge [sflag:s20], $0x4000  }
0x87: {  	[sflag:s20] =	ssyncset.done $0x0  }
0x88: {  	s21 =	sadd.s32 $0x300000, s21;
	s28 =	simm.s32 $0x780;
	[sflag:s20] =	ssyncadd.s32 $0xFFFFC000  }
0x89: {  	[tilespmem:s10], [sflag:$0x4] =	stream.indirect.gather [hbm4b:s1+s3], $0x80, s28, s3, $0xb8;
	[tilespmem:$0x19C00] =	vst v63  }
0x8a: {  	s8 =	simm.s32 $0xC00;
	s23 =	sadd.s32 $0x60000, s23;
	_ =	swait.ge [sflag:s29], $0x4000  }
0x8b: {  	s0 =	sadd.s32 $0x60000, s25;
	[sflag:s29] =	ssyncset.done $0x0;
	s24 =	rddreg [dreg:$0x16]  }
0x8c: {  	s25 =	sadd.s32 $0x60000, s7;
	s22 =	sadd.s32 $0x60000, s24;
	[sflag:s29] =	ssyncadd.s32 $0xFFFFC000  }
.LBB2_2:
0x8d: {  	[hbm4b:s24+s4] =	stream.linear.scatter [tilespmem:s13], [sflag:$0xC], $0x4000, $0x38;
	[tilespmem:$0x19C00] =	vst v63  }
0x8e: {  	s28 =	smov.u32 s8;
	s24 =	smov.u32 s22  }
0x8f: {  	p0 =	sne.s32 s8, $0x3C00;
	s8 =	sadd.s32 $0xC00, s8;
	_ =	swait.ge [sflag:s31], $0x4000  }
0x90: {  	s28 =	sshra.s32 s28, $0x2;
	[sflag:s31] =	ssyncset.done $0x0  }
0x91: {  	s2 =	sadd.s32 $0x500, s28;
	[sflag:s31] =	ssyncadd.s32 $0xFFFFC000  }
0x92: {  	[tilespmem:s11], [sflag:$0x5] =	stream.indirect.gather [hbm4b:s1+s3], $0x80, s2, s3, $0xb8;
	[tilespmem:$0x19C00] =	vst v63  }
0x93: {  	_ =	swait.ge [sflag:s12], $0x4000  }
0x94: {  	s7 =	smov.u32 s30;
	s2 =	sshrl.u32 s21, $0x3;
	[sflag:s12] =	ssyncset.done $0x0  }
0x95: {  	s9 =	simm.s32 $0x1C00;
	s30 =	sadd.s32 s6, s2;
	[sflag:s12] =	ssyncadd.s32 $0xFFFFC000  }
0x96: {  	[hbm4b:s30+s4] =	stream.linear.scatter [tilespmem:s9], [sflag:$0x7], $0x4000, $0x38;
	[tilespmem:$0x19C00] =	vst v63  }
0x97: {  	_ =	swait.ge [sflag:s26], $0x4000  }
0x98: {  	[sflag:s26] =	ssyncset.done $0x0  }
0x99: {  	s30 =	sadd.s32 $0x580, s28;
	[sflag:s26] =	ssyncadd.s32 $0xFFFFC000  }
0x9a: {  	[tilespmem:s13], [sflag:$0x6] =	stream.indirect.gather [hbm4b:s1+s3], $0x80, s30, s3, $0xb8;
	[tilespmem:$0x19C00] =	vst v63  }
0x9b: {  	s30 =	smov.u32 s7  }
0x9c: {  	_ =	swait.ge [sflag:s5], $0x4000  }
0x9d: {  	[sflag:s5] =	ssyncset.done $0x0  }
0x9e: {  	s2 =	sadd.s32 s2, s7;
	s7 =	simm.s32 $0x5C00;
	[sflag:s5] =	ssyncadd.s32 $0xFFFFC000  }
0x9f: {  	[hbm4b:s2+s4] =	stream.linear.scatter [tilespmem:s7], [sflag:$0x8], $0x4000, $0x38;
	[tilespmem:$0x19C00] =	vst v63  }
0xa0: {  	_ =	swait.ge [sflag:s14], $0x4000  }
0xa1: {  	[sflag:s14] =	ssyncset.done $0x0  }
0xa2: {  	s2 =	sadd.s32 $0x600, s28;
	[sflag:s14] =	ssyncadd.s32 $0xFFFFC000  }
0xa3: {  	[tilespmem:s9], [sflag:$0x1] =	stream.indirect.gather [hbm4b:s1+s3], $0x80, s2, s3, $0xb8;
	[tilespmem:$0x19C00] =	vst v63  }
0xa4: {  	_ =	swait.ge [sflag:s15], $0x4000  }
0xa5: {  	[sflag:s15] =	ssyncset.done $0x0  }
0xa6: {  	s10 =	simm.s32 $0x9C00;
	[sflag:s15] =	ssyncadd.s32 $0xFFFFC000  }
0xa7: {  	[hbm4b:s25+s4] =	stream.linear.scatter [tilespmem:s10], [sflag:$0x9], $0x4000, $0x38;
	[tilespmem:$0x19C00] =	vst v63  }
0xa8: {  	_ =	swait.ge [sflag:s16], $0x4000  }
0xa9: {  	[sflag:s16] =	ssyncset.done $0x0  }
0xaa: {  	s2 =	sadd.s32 $0x680, s28;
	[sflag:s16] =	ssyncadd.s32 $0xFFFFC000  }
0xab: {  	[tilespmem:s7], [sflag:$0x2] =	stream.indirect.gather [hbm4b:s1+s3], $0x80, s2, s3, $0xb8;
	[tilespmem:$0x19C00] =	vst v63  }
0xac: {  	_ =	swait.ge [sflag:s17], $0x4000  }
0xad: {  	[sflag:s17] =	ssyncset.done $0x0  }
0xae: {  	s7 =	simm.s32 $0xDC00;
	[sflag:s17] =	ssyncadd.s32 $0xFFFFC000  }
0xaf: {  	[hbm4b:s23+s4] =	stream.linear.scatter [tilespmem:s7], [sflag:$0xA], $0x4000, $0x38;
	[tilespmem:$0x19C00] =	vst v63  }
0xb0: {  	_ =	swait.ge [sflag:s18], $0x4000  }
0xb1: {  	[sflag:s18] =	ssyncset.done $0x0  }
0xb2: {  	s9 =	simm.s32 $0x9C00;
	s2 =	sadd.s32 $0x700, s28;
	[sflag:s18] =	ssyncadd.s32 $0xFFFFC000  }
0xb3: {  	[tilespmem:s10], [sflag:$0x3] =	stream.indirect.gather [hbm4b:s1+s3], $0x80, s2, s3, $0xb8;
	[tilespmem:$0x19C00] =	vst v63  }
0xb4: {  	_ =	swait.ge [sflag:s19], $0x4000  }
0xb5: {  	[sflag:s19] =	ssyncset.done $0x0  }
0xb6: {  	[sflag:s19] =	ssyncadd.s32 $0xFFFFC000  }
0xb7: {  	[hbm4b:s0+s4] =	stream.linear.scatter [tilespmem:s11], [sflag:$0xB], $0x4000, $0x38;
	[tilespmem:$0x19C00] =	vst v63  }
0xb8: {  	_ =	swait.ge [sflag:s20], $0x4000  }
0xb9: {  	s2 =	sadd.s32 $0x780, s28;
	[sflag:s20] =	ssyncset.done $0x0  }
.Ltmp0:
0xba: {  	s10 =	simm.s32 $0xDC00;
	[sflag:s20] =	ssyncadd.s32 $0xFFFFC000;
	(pc) =	sbr.rel @p0 .LBB2_2-.Ltmp0, $4  }
0xbb: {  	[tilespmem:s7], [sflag:$0x4] =	stream.indirect.gather [hbm4b:s1+s3], $0x80, s2, s3, $0xb8;
	[tilespmem:$0x19C00] =	vst v63  }
0xbc: {  	s0 =	sadd.s32 $0x60000, s0;
	_ =	swait.ge [sflag:s29], $0x4000  }
0xbd: {  	s22 =	sadd.s32 $0x60000, s22;
	s21 =	sadd.s32 $0x300000, s21;
	[sflag:s29] =	ssyncset.done $0x0  }
0xbe: {  	s25 =	sadd.s32 $0x60000, s25;
	s23 =	sadd.s32 $0x60000, s23;
	[sflag:s29] =	ssyncadd.s32 $0xFFFFC000  }
0xbf: {  	[hbm4b:s24+s4] =	stream.linear.scatter [tilespmem:s13], [sflag:$0xC], $0x4000, $0x38;
	[tilespmem:$0x19C00] =	vst v63  }
0xc0: {  	_ =	swait.ge [sflag:s31], $0x4000  }
0xc1: {  	[sflag:s31] =	ssyncset.done $0x0  }
0xc2: {  	s0 =	simm.s32 $0x1700;
	[sflag:s31] =	ssyncadd.s32 $0xFFFFC000  }
0xc3: {  	[tilespmem:s11], [sflag:$0x5] =	stream.indirect.gather [hbm4b:s1+s3], $0x80, s0, s3, $0xb8;
	[tilespmem:$0x19C00] =	vst v63  }
0xc4: {  	_ =	swait.ge [sflag:s12], $0x4000  }
0xc5: {  	[sflag:s12] =	ssyncset.done $0x0  }
0xc6: {  	s2 =	simm.s32 $0x1C00;
	s22 =	rddreg [dreg:$0xc];
	[sflag:s12] =	ssyncadd.s32 $0xFFFFC000  }
0xc7: {  	[hbm4b:s22+s4] =	stream.linear.scatter [tilespmem:s2], [sflag:$0x7], $0x4000, $0x38;
	[tilespmem:$0x19C00] =	vst v63  }
0xc8: {  	_ =	swait.ge [sflag:s26], $0x4000  }
0xc9: {  	[sflag:s26] =	ssyncset.done $0x0  }
0xca: {  	s23 =	simm.s32 $0x1780;
	[sflag:s26] =	ssyncadd.s32 $0xFFFFC000  }
0xcb: {  	[tilespmem:s13], [sflag:$0x6] =	stream.indirect.gather [hbm4b:s1+s3], $0x80, s23, s3, $0xb8;
	[tilespmem:$0x19C00] =	vst v63  }
0xcc: {  	_ =	swait.ge [sflag:s5], $0x4000  }
0xcd: {  	[sflag:s5] =	ssyncset.done $0x0  }
0xce: {  	s7 =	simm.s32 $0x5C00;
	s24 =	rddreg [dreg:$0xd];
	[sflag:s5] =	ssyncadd.s32 $0xFFFFC000  }
0xcf: {  	[hbm4b:s24+s4] =	stream.linear.scatter [tilespmem:s7], [sflag:$0x8], $0x4000, $0x38;
	[tilespmem:$0x19C00] =	vst v63  }
0xd0: {  	_ =	swait.ge [sflag:s14], $0x4000  }
0xd1: {  	[sflag:s14] =	ssyncset.done $0x0  }
0xd2: {  	s8 =	simm.s32 $0x1800;
	[sflag:s14] =	ssyncadd.s32 $0xFFFFC000  }
0xd3: {  	[tilespmem:s2], [sflag:$0x1] =	stream.indirect.gather [hbm4b:s1+s3], $0x80, s8, s3, $0xb8;
	[tilespmem:$0x19C00] =	vst v63  }
0xd4: {  	_ =	swait.ge [sflag:s15], $0x4000  }
0xd5: {  	[sflag:s15] =	ssyncset.done $0x0  }
0xd6: {  	s25 =	rddreg [dreg:$0xe];
	[sflag:s15] =	ssyncadd.s32 $0xFFFFC000  }
0xd7: {  	[hbm4b:s25+s4] =	stream.linear.scatter [tilespmem:s9], [sflag:$0x9], $0x4000, $0x38;
	[tilespmem:$0x19C00] =	vst v63  }
0xd8: {  	_ =	swait.ge [sflag:s16], $0x4000  }
0xd9: {  	[sflag:s16] =	ssyncset.done $0x0  }
0xda: {  	s28 =	simm.s32 $0x1880;
	[sflag:s16] =	ssyncadd.s32 $0xFFFFC000  }
0xdb: {  	[tilespmem:s7], [sflag:$0x2] =	stream.indirect.gather [hbm4b:s1+s3], $0x80, s28, s3, $0xb8;
	[tilespmem:$0x19C00] =	vst v63  }
0xdc: {  	_ =	swait.ge [sflag:s17], $0x4000  }
0xdd: {  	[sflag:s17] =	ssyncset.done $0x0  }
0xde: {  	s9 =	rddreg [dreg:$0xf];
	[sflag:s17] =	ssyncadd.s32 $0xFFFFC000  }
0xdf: {  	[hbm4b:s9+s4] =	stream.linear.scatter [tilespmem:s10], [sflag:$0xA], $0x4000, $0x38;
	[tilespmem:$0x19C00] =	vst v63  }
0xe0: {  	_ =	swait.ge [sflag:s18], $0x4000  }
0xe1: {  	[sflag:s18] =	ssyncset.done $0x0  }
0xe2: {  	[sflag:s18] =	ssyncadd.s32 $0xFFFFC000  }
0xe3: {  	_ =	swait.ge [sflag:s19], $0x4000  }
0xe4: {  	[sflag:s19] =	ssyncset.done $0x0  }
0xe5: {  	s21 =	rddreg [dreg:$0x10];
	[sflag:s19] =	ssyncadd.s32 $0xFFFFC000  }
0xe6: {  	[hbm4b:s21+s4] =	stream.linear.scatter [tilespmem:s11], [sflag:$0xB], $0x4000, $0x38;
	[tilespmem:$0x19C00] =	vst v63  }
0xe7: {  	_ =	swait.ge [sflag:s20], $0x4000  }
0xe8: {  	[sflag:s20] =	ssyncset.done $0x0  }
0xe9: {  	[sflag:s20] =	ssyncadd.s32 $0xFFFFC000  }
0xea: {  	_ =	swait.ge [sflag:s29], $0x4000  }
0xeb: {  	[sflag:s29] =	ssyncset.done $0x0  }
0xec: {  	s22 =	rddreg [dreg:$0x11];
	[sflag:s29] =	ssyncadd.s32 $0xFFFFC000  }
0xed: {  	[hbm4b:s22+s4] =	stream.linear.scatter [tilespmem:s13], [sflag:$0xC], $0x4000, $0x38;
	[tilespmem:$0x19C00] =	vst v63  }
0xee: {  	_ =	swait.ge [sflag:s31], $0x4000  }
0xef: {  	[sflag:s31] =	ssyncset.done $0x0  }
0xf0: {  	[sflag:s31] =	ssyncadd.s32 $0xFFFFC000  }
0xf1: {  	_ =	swait.ge [sflag:s12], $0x4000  }
0xf2: {  	[sflag:s12] =	ssyncset.done $0x0  }
0xf3: {  	s23 =	rddreg [dreg:$0x18];
	[sflag:s12] =	ssyncadd.s32 $0xFFFFC000  }
0xf4: {  	[hbm4b:s23+s4] =	stream.linear.scatter [tilespmem:s2], [sflag:$0x7], $0x4000, $0x38;
	[tilespmem:$0x19C00] =	vst v63  }
0xf5: {  	_ =	swait.ge [sflag:s26], $0x4000  }
0xf6: {  	[sflag:s26] =	ssyncset.done $0x0  }
0xf7: {  	[sflag:s26] =	ssyncadd.s32 $0xFFFFC000  }
0xf8: {  	_ =	swait.ge [sflag:s5], $0x4000  }
0xf9: {  	[sflag:s5] =	ssyncset.done $0x0  }
0xfa: {  	s24 =	rddreg [dreg:$0x19];
	[sflag:s5] =	ssyncadd.s32 $0xFFFFC000  }
0xfb: {  	[hbm4b:s24+s4] =	stream.linear.scatter [tilespmem:s7], [sflag:$0x8], $0x4000, $0x38;
	[tilespmem:$0x19C00] =	vst v63  }
0xfc: {  	_ =	swait.ge [sflag:s14], $0x4000  }
0xfd: {  	[sflag:s14] =	ssyncset.done $0x0  }
0xfe: {  	[sflag:s14] =	ssyncadd.s32 $0xFFFFC000  }
0xff: {  	_ =	swait.ge [sflag:s16], $0x4000  }
0x100: {  	s25 =	rddreg [dreg:$0x1a]  }
0x101: {  	s28 =	rddreg [dreg:$0x12];
	s2 =	sadd.s32 $0x1, s25  }
0x102: {  	p0 =	sne.s32 s2, s28  }
.Ltmp1:
0x103: {  	_ = 	snop;
	(pc) =	sbr.rel @p0 .LBB2_1-.Ltmp1, $3  }
0x104: {  	_ =	sdelay $0x1  }
0x105: {  	[sflag:s16] =	ssyncset.done $0x0  }
0x106: {  	[sflag:s16] =	ssyncadd.s32 $0xFFFFC000  }
0x107: {  	_ =	sfence.sel $0x180000  }
0x108: {  	[bflag:$0x0] =	sbarrier.arrive $0xFFFF  }
0x109: {  	_ =	strace $0x90000047  }
0x10a: {  	s0 =	stileid.u32;
	[bflag:$0x2] =	sbarrier.arrive $0xFFFF  }
0x10b: {  	p0 =	sne.s32 s0, $0x0;
	s0 =	rddreg [dreg:$0x3]  }
0x10c: {  	s0 =	sadd.s32 @!p0 $0x100000, s0  }
0x10d: {  	[sflag:s0] =	ssyncadd.tile.s32 @!p0 $0x1;
	_ =	shalt  }
.Lfunc_end2:
_tile_overlayer_lowered:
.L_overlay_start_2:
0x10e: {  	(tag) =	ssettag $0x2  }
0x10f: {  	s0 =	rddreg [dreg:$0x0];
	s2 =	stileid.u32  }
0x110: {  	s1 =	rddreg [dreg:$0x1];
	p0 =	sne.s32 s2, $0x0  }
0x111: {  	s3 =	rddreg [dreg:$0x2];
	[bflag:$0x3] =	sbarrier.arrive $0xFFFF;
	s2 =	simm.s32 @!p0 $0x1C0D  }
0x112: {  	[timem:s3], [sflag:s2] =	dma.local @!p0 [hbm:s0], s1  }
0x113: {  	s0 =	simm.s32 @!p0 $0xD  }
0x114: {  	_ =	swait.ge @!p0 [sflag:s0], s1  }
0x115: {  	s1 =	ssub.s32 @!p0 $0x0, s1;
	[sflag:s0] =	ssyncset.done @!p0 $0x0  }
0x116: {  	[sflag:s0] =	ssyncadd.s32 @!p0 s1  }
0x117: {  	[bflag:$0x3] =	sbarrier.arrive $0xFFFF  }
0x118: {  	_ =	shalt  }

</sc_bundles>
